<compile_context>
chip_gen: v7x
topology: tpu7x:2x2x1
jax: 0.10.2.dev20260603
libtpu: 0.0.44.dev20260713+nightly
codegen_flags: <defaults>
</compile_context>

<pallas_src>
import functools

import jax
import jax.numpy as jnp
from jax import lax
from jax.experimental import pallas as pl
from jax.experimental.pallas import tpu as pltpu
from jax.experimental.pallas import tpu_sc as plsc

N = 10000
NP = 10240
H = 128
NC = 2
NS = 16
NW = NC * NS
CH = 128
ROWS = NP // NS


def _mesh():
    return plsc.VectorSubcoreMesh(core_axis_name="c", subcore_axis_name="s")


G = 40


def _sc_degree(dstm, zeros1, ones1, nchunk):

    @functools.partial(
        pl.kernel,
        out_type=jax.ShapeDtypeStruct((NC, NP), jnp.float32),
        mesh=_mesh(),
        scratch_types=[
            pltpu.VMEM((nchunk, CH), jnp.int32),
            pltpu.VMEM((CH,), jnp.float32),
            pltpu.VMEM_SHARED((NP,), jnp.float32),
        ],
    )
    def k(dstm_hbm, z_hbm, ones_hbm, out_hbm, idxd, ones_v, deg_sh):
        c = lax.axis_index("c")
        s = lax.axis_index("s")
        wid = c * NS + s
        rows1 = NP // NS
        pltpu.sync_copy(z_hbm.at[pl.ds(s * rows1, rows1)],
                        deg_sh.at[pl.ds(s * rows1, rows1)])
        pltpu.sync_copy(dstm_hbm.at[wid], idxd)
        pltpu.sync_copy(ones_hbm, ones_v)
        plsc.subcore_barrier()

        def body(i, carry):
            pltpu.sync_copy(ones_v, deg_sh.at[idxd.at[i]], add=True)
            return carry

        lax.fori_loop(0, nchunk, body, 0)
        plsc.subcore_barrier()
        pltpu.sync_copy(deg_sh.at[pl.ds(s * rows1, rows1)],
                        out_hbm.at[c, pl.ds(s * rows1, rows1)])

    return k(dstm, zeros1, ones1)


def _sc_edge(hp, srcm, dstm, zeros, nchunk):

    @functools.partial(
        pl.kernel,
        out_type=jax.ShapeDtypeStruct((NC, NP, H), jnp.float32),
        mesh=_mesh(),
        scratch_types=[
            pltpu.VMEM((G, CH), jnp.int32),
            pltpu.VMEM((G, CH), jnp.int32),
            pltpu.VMEM((CH, H), jnp.float32),
            pltpu.VMEM((CH, H), jnp.float32),
            pltpu.VMEM_SHARED((NP, H), jnp.float32),
            pltpu.SemaphoreType.DMA,
            pltpu.SemaphoreType.DMA,
        ],
    )
    def k(hp_hbm, srcm_hbm, dstm_hbm, z_hbm, out_hbm,
          idxs, idxd, buf0, buf1, acc_sh, gsem0, gsem1):
        c = lax.axis_index("c")
        s = lax.axis_index("s")
        wid = c * NS + s
        pltpu.sync_copy(z_hbm.at[pl.ds(s * ROWS, ROWS)],
                        acc_sh.at[pl.ds(s * ROWS, ROWS)])
        plsc.subcore_barrier()

        def group(g, carry):
            pltpu.sync_copy(srcm_hbm.at[wid, pl.ds(g * G, G)], idxs)
            pltpu.sync_copy(dstm_hbm.at[wid, pl.ds(g * G, G)], idxd)
            pltpu.async_copy(hp_hbm.at[idxs.at[0]], buf0, gsem0)

            def body(j, carry2):
                i = j * 2
                pltpu.async_copy(hp_hbm.at[idxs.at[i + 1]], buf1, gsem1)
                pltpu.make_async_copy(
                    hp_hbm.at[idxs.at[i]], buf0, gsem0).wait()
                pltpu.sync_copy(buf0, acc_sh.at[idxd.at[i]], add=True)

                @pl.when(i + 2 < G)
                def _():
                    pltpu.async_copy(hp_hbm.at[idxs.at[i + 2]], buf0, gsem0)

                pltpu.make_async_copy(
                    hp_hbm.at[idxs.at[i + 1]], buf1, gsem1).wait()
                pltpu.sync_copy(buf1, acc_sh.at[idxd.at[i + 1]], add=True)
                return carry2

            lax.fori_loop(0, G // 2, body, 0)
            return carry

        lax.fori_loop(0, nchunk // G, group, 0)
        plsc.subcore_barrier()
        pltpu.sync_copy(acc_sh.at[pl.ds(s * ROWS, ROWS)],
                        out_hbm.at[c, pl.ds(s * ROWS, ROWS)])

    return k(hp, srcm, dstm, zeros)


def _tc_pre_body(x_ref, w_ref, dp_ref, hp_ref, dinv_ref):
    dp = dp_ref[...]
    deg = dp[:, 0:1] + dp[:, 1:2] + 1.0
    dinv = lax.rsqrt(deg)
    h = jnp.dot(x_ref[...], w_ref[...], preferred_element_type=jnp.float32)
    hp_ref[...] = h * dinv
    dinv_ref[...] = dinv


def _tc_mid_body(p_ref, hp_ref, dinv_ref, b_ref, w_ref, out_ref):
    p = p_ref[...]
    acc = p[0] + p[1] + hp_ref[...]
    h = dinv_ref[...] * acc + b_ref[...]
    h = jnp.maximum(h, 0.0)
    out_ref[...] = dinv_ref[...] * jnp.dot(
        h, w_ref[...], preferred_element_type=jnp.float32)


def _tc_fin_body(p_ref, hp_ref, dinv_ref, b_ref, wl_ref, bl_ref, out_ref):
    p = p_ref[...]
    acc = p[0] + p[1] + hp_ref[...]
    h = dinv_ref[...] * acc + b_ref[...]
    out_ref[...] = jnp.dot(
        h, wl_ref[...], preferred_element_type=jnp.float32) + bl_ref[...]


def kernel(x, edge_index, W1, b1, W2, b2, W3, b3, Wl, bl):
    ei = edge_index.astype(jnp.int32)
    e = ei.shape[1]
    nchunk = -(-e // (NW * CH))
    nchunk = -(-nchunk // G) * G
    ep = NW * CH * nchunk
    pad_idx = N + jnp.arange(ep - e, dtype=jnp.int32) % (NP - N)
    src = jnp.concatenate([ei[0], pad_idx]).reshape(NW, nchunk, CH)
    dst = jnp.concatenate([ei[1], pad_idx]).reshape(NW, nchunk, CH)
    xp = jnp.pad(x, ((0, NP - N), (0, 0)))
    zeros = jnp.zeros((NP, H), jnp.float32)
    nout = Wl.shape[0]

    degp = _sc_degree(dst, jnp.zeros((NP,), jnp.float32),
                      jnp.ones((CH,), jnp.float32), nchunk).T
    hp1, dinv = pl.pallas_call(
        _tc_pre_body,
        out_shape=[jax.ShapeDtypeStruct((NP, H), jnp.float32),
                   jax.ShapeDtypeStruct((NP, 1), jnp.float32)],
    )(xp, W1.T, degp)

    p1 = _sc_edge(hp1, src, dst, zeros, nchunk)
    hp2 = pl.pallas_call(
        _tc_mid_body,
        out_shape=jax.ShapeDtypeStruct((NP, H), jnp.float32),
    )(p1, hp1, dinv, b1.reshape(1, H), W2.T)

    p2 = _sc_edge(hp2, src, dst, zeros, nchunk)
    hp3 = pl.pallas_call(
        _tc_mid_body,
        out_shape=jax.ShapeDtypeStruct((NP, H), jnp.float32),
    )(p2, hp2, dinv, b2.reshape(1, H), W3.T)

    p3 = _sc_edge(hp3, src, dst, zeros, nchunk)
    outp = pl.pallas_call(
        _tc_fin_body,
        out_shape=jax.ShapeDtypeStruct((NP, nout), jnp.float32),
    )(p3, hp3, dinv, b3.reshape(1, H), Wl.T, bl.reshape(1, nout))
    return outp[:N]

# --- scband reference (transcript-rebuilt; emitter-appended) ---
"""Pipeline reference for scband-gcn-6794638262429 (READ-ONLY COPY).

The authoritative reference and input builder live on the scoring server;
editing this copy changes nothing except your own understanding.
"""

import jax, jax.numpy as jnp
import numpy as np

N_NODES = 10000


def gcn_conv(x, edge_index, W, b):
    n = x.shape[0]
    loop = jnp.arange(n, dtype=edge_index.dtype)
    src = jnp.concatenate([edge_index[0], loop])
    dst = jnp.concatenate([edge_index[1], loop])
    # degree computed on destination nodes (incl. self loops), edge weights = 1
    deg = jnp.zeros(n, dtype=x.dtype).at[dst].add(1.0)
    dinv = jnp.where(deg > 0, 1.0 / jnp.sqrt(deg), 0.0)
    norm = dinv[src] * dinv[dst]
    h = x @ W.T
    msg = h[src] * norm[:, None]
    out = jnp.zeros((n, h.shape[1]), dtype=x.dtype).at[dst].add(msg)
    return out + b


def setup_inputs(seed: int = 0) -> dict:
    key = jax.random.key(seed)
    ks = jax.random.split(key, 12)
    hidden = 128
    x = jax.random.normal(ks[0], (N_NODES, 128), dtype=jnp.float32)
    edge_index = jax.random.randint(ks[1], (2, 320000), 0, N_NODES, dtype=jnp.int64)
    def glorot(k, shape):
        fan_in, fan_out = shape[1], shape[0]
        lim = jnp.sqrt(6.0 / (fan_in + fan_out))
        return jax.random.uniform(k, shape, jnp.float32, -lim, lim)
    W1 = glorot(ks[2], (hidden, 128)); b1 = jnp.zeros((hidden,), jnp.float32)
    W2 = glorot(ks[3], (hidden, hidden)); b2 = jnp.zeros((hidden,), jnp.float32)
    W3 = glorot(ks[4], (hidden, hidden)); b3 = jnp.zeros((hidden,), jnp.float32)
    Wl = glorot(ks[5], (40, hidden)); bl = jnp.zeros((40,), jnp.float32)
    return {"x": x, "edge_index": edge_index, "W1": W1, "b1": b1, "W2": W2, "b2": b2, "W3": W3, "b3": b3, "Wl": Wl, "bl": bl}


def reference(x, edge_index, W1, b1, W2, b2, W3, b3, Wl, bl):
    h = gcn_conv(x, edge_index, W1, b1)
    h = jax.nn.relu(h)
    h = gcn_conv(h, edge_index, W2, b2)
    h = jax.nn.relu(h)
    h = gcn_conv(h, edge_index, W3, b3)
    # dropout(p=0.5, training=self.training) -> identity in eval mode
    out = h @ Wl.T + bl
    return out

if __name__ == "__main__":
    import jax
    _d = setup_inputs()
    print(jax.jit(kernel)(*tuple(_d.values())))

</pallas_src>

<mosaic_0001>
#map = affine_map<(d0, d1) -> (0, 0, 0)>
#map1 = affine_map<(d0, d1) -> (0)>
#map2 = affine_map<(d0, d1) -> (0, 0)>
module attributes {stable_mosaic.version = 14 : i64} {
  func.func @k(%arg0: i32, %arg1: i32, %arg2: memref<32x80x128xi32, #tpu.memory_space<hbm>>, %arg3: memref<10240xf32, #tpu.memory_space<hbm>>, %arg4: memref<128xf32, #tpu.memory_space<hbm>>, %arg5: memref<2x10240xf32, #tpu.memory_space<hbm>>, %arg6: memref<80x128xi32, #tpu.memory_space<vmem>>, %arg7: memref<128xf32, #tpu.memory_space<vmem>>, %arg8: memref<10240xf32, #tpu.memory_space<vmem_shared>>) attributes {dimension_semantics = [#tpu.dimension_semantics<core_parallel>, #tpu.dimension_semantics<subcore_parallel>], iteration_bounds = array<i64: 2, 16>, scalar_prefetch = 0 : i64, scratch_operands = 3 : i64, tpu.core_type = #tpu.core_type<sc_vector_subcore>, window_params = [{transform_indices = #map}, {transform_indices = #map1}, {transform_indices = #map1}, {transform_indices = #map2}]} {
    %mul3A = arith.constant 16 : i32
    %mul3A_0 = arith.muli %arg0, %mul3A : i32
    %add3A = arith.addi %mul3A_0, %arg1 : i32
    %mul3A_1 = arith.constant 640 : i32
    %mul3A_2 = arith.muli %arg1, %mul3A_1 : i32
    %mul3A_3 = arith.constant 640 : i32
    %mul3A_4 = arith.muli %arg1, %mul3A_3 : i32
    "tpu.region"() ({
      %run_scoped3A = tpu.sem_alloc : memref<!tpu.dma_semaphore, #tpu.memory_space<semaphore_mem>>
      %dma_start3A = tpu.memref_slice %arg8[%mul3A_4] : memref<10240xf32, #tpu.memory_space<vmem_shared>> -> memref<640xf32, #tpu.memory_space<vmem_shared>>
      %dma_start3A_15 = tpu.memref_slice %arg3[%mul3A_2] : memref<10240xf32, #tpu.memory_space<hbm>> -> memref<640xf32, #tpu.memory_space<hbm>>
      tpu.enqueue_dma source(%dma_start3A_15 : memref<640xf32, #tpu.memory_space<hbm>>) target(%dma_start3A : memref<640xf32, #tpu.memory_space<vmem_shared>>) target_semaphore(%run_scoped3A : memref<!tpu.dma_semaphore, #tpu.memory_space<semaphore_mem>>)
      %dma_wait3A = tpu.memref_slice %arg8[%mul3A_4] : memref<10240xf32, #tpu.memory_space<vmem_shared>> -> memref<640xf32, #tpu.memory_space<vmem_shared>>
      %dma_wait3A_16 = tpu.memref_slice %arg3[%mul3A_2] : memref<10240xf32, #tpu.memory_space<hbm>> -> memref<640xf32, #tpu.memory_space<hbm>>
      tpu.wait_dma2 semaphore(%run_scoped3A : memref<!tpu.dma_semaphore, #tpu.memory_space<semaphore_mem>>) src(%dma_wait3A_16 : memref<640xf32, #tpu.memory_space<hbm>>) dst(%dma_wait3A : memref<640xf32, #tpu.memory_space<vmem_shared>>)
      tpu.yield
    }) : () -> ()
    "tpu.region"() ({
      %run_scoped3A = tpu.sem_alloc : memref<!tpu.dma_semaphore, #tpu.memory_space<semaphore_mem>>
      %dma_start3A = arith.constant 0 : i32
      %dma_start3A_15 = arith.constant 0 : i32
      %dma_start3A_16 = tpu.memref_slice %arg2[%add3A, %dma_start3A, %dma_start3A_15] : memref<32x80x128xi32, #tpu.memory_space<hbm>> -> memref<1x80x128xi32, #tpu.memory_space<hbm>>
      %dma_start3A_17 = tpu.memref_squeeze %dma_start3A_16 : memref<1x80x128xi32, #tpu.memory_space<hbm>> -> memref<80x128xi32, #tpu.memory_space<hbm>>
      %dma_start3A_18 = arith.constant 0 : i32
      %dma_start3A_19 = arith.constant 0 : i32
      %dma_start3A_20 = tpu.memref_slice %arg2[%add3A, %dma_start3A_18, %dma_start3A_19] : memref<32x80x128xi32, #tpu.memory_space<hbm>> -> memref<1x80x128xi32, #tpu.memory_space<hbm>>
      %dma_start3A_21 = tpu.memref_squeeze %dma_start3A_20 : memref<1x80x128xi32, #tpu.memory_space<hbm>> -> memref<80x128xi32, #tpu.memory_space<hbm>>
      tpu.enqueue_dma source(%dma_start3A_21 : memref<80x128xi32, #tpu.memory_space<hbm>>) target(%arg6 : memref<80x128xi32, #tpu.memory_space<vmem>>) target_semaphore(%run_scoped3A : memref<!tpu.dma_semaphore, #tpu.memory_space<semaphore_mem>>)
      %dma_wait3A = arith.constant 0 : i32
      %dma_wait3A_22 = arith.constant 0 : i32
      %dma_wait3A_23 = tpu.memref_slice %arg2[%add3A, %dma_wait3A, %dma_wait3A_22] : memref<32x80x128xi32, #tpu.memory_space<hbm>> -> memref<1x80x128xi32, #tpu.memory_space<hbm>>
      %dma_wait3A_24 = tpu.memref_squeeze %dma_wait3A_23 : memref<1x80x128xi32, #tpu.memory_space<hbm>> -> memref<80x128xi32, #tpu.memory_space<hbm>>
      %dma_wait3A_25 = arith.constant 0 : i32
      %dma_wait3A_26 = arith.constant 0 : i32
      %dma_wait3A_27 = tpu.memref_slice %arg2[%add3A, %dma_wait3A_25, %dma_wait3A_26] : memref<32x80x128xi32, #tpu.memory_space<hbm>> -> memref<1x80x128xi32, #tpu.memory_space<hbm>>
      %dma_wait3A_28 = tpu.memref_squeeze %dma_wait3A_27 : memref<1x80x128xi32, #tpu.memory_space<hbm>> -> memref<80x128xi32, #tpu.memory_space<hbm>>
      tpu.wait_dma2 semaphore(%run_scoped3A : memref<!tpu.dma_semaphore, #tpu.memory_space<semaphore_mem>>) src(%dma_wait3A_28 : memref<80x128xi32, #tpu.memory_space<hbm>>) dst(%arg6 : memref<80x128xi32, #tpu.memory_space<vmem>>)
      tpu.yield
    }) : () -> ()
    "tpu.region"() ({
      %run_scoped3A = tpu.sem_alloc : memref<!tpu.dma_semaphore, #tpu.memory_space<semaphore_mem>>
      tpu.enqueue_dma source(%arg4 : memref<128xf32, #tpu.memory_space<hbm>>) target(%arg7 : memref<128xf32, #tpu.memory_space<vmem>>) target_semaphore(%run_scoped3A : memref<!tpu.dma_semaphore, #tpu.memory_space<semaphore_mem>>)
      tpu.wait_dma2 semaphore(%run_scoped3A : memref<!tpu.dma_semaphore, #tpu.memory_space<semaphore_mem>>) src(%arg4 : memref<128xf32, #tpu.memory_space<hbm>>) dst(%arg7 : memref<128xf32, #tpu.memory_space<vmem>>)
      tpu.yield
    }) : () -> ()
    %barrier3A = arith.constant 0 : index
    tpu.barrier barrier_id(%barrier3A)
    %scan3A = arith.constant 0 : i32
    %scan3A_5 = arith.constant 0 : i32
    %scan3A_6 = arith.constant 80 : i32
    %scan3A_7 = arith.addi %scan3A_5, %scan3A_6 : i32
    %scan3A_8 = arith.constant 1 : i32
    scf.for %scan3A_15 = %scan3A_5 to %scan3A_7 step %scan3A_8  : i32 {
      "tpu.region"() ({
        %run_scoped3A = tpu.sem_alloc : memref<!tpu.dma_semaphore, #tpu.memory_space<semaphore_mem>>
        %dma_start3A = arith.constant 0 : i32
        %dma_start3A_16 = tpu.memref_slice %arg6[%scan3A_15, %dma_start3A] : memref<80x128xi32, #tpu.memory_space<vmem>> -> memref<1x128xi32, #tpu.memory_space<vmem>>
        %dma_start3A_17 = tpu.memref_squeeze %dma_start3A_16 : memref<1x128xi32, #tpu.memory_space<vmem>> -> memref<128xi32, #tpu.memory_space<vmem>>
        %dma_start3A_18 = arith.constant 0 : i32
        %dma_start3A_19 = tpu.memref_slice %arg8[%dma_start3A_18] : memref<10240xf32, #tpu.memory_space<vmem_shared>> -> memref<10240xf32, #tpu.memory_space<vmem_shared>>
        tpu.enqueue_indirect_dma source(%arg7 : memref<128xf32, #tpu.memory_space<vmem>>) target(%dma_start3A_19 : memref<10240xf32, #tpu.memory_space<vmem_shared>>) offsets(%dma_start3A_17 : memref<128xi32, #tpu.memory_space<vmem>>) semaphore(%run_scoped3A : memref<!tpu.dma_semaphore, #tpu.memory_space<semaphore_mem>>) {add = true}
        %dma_wait3A = arith.constant 0 : i32
        %dma_wait3A_20 = tpu.memref_slice %arg6[%scan3A_15, %dma_wait3A] : memref<80x128xi32, #tpu.memory_space<vmem>> -> memref<1x128xi32, #tpu.memory_space<vmem>>
        %dma_wait3A_21 = tpu.memref_squeeze %dma_wait3A_20 : memref<1x128xi32, #tpu.memory_space<vmem>> -> memref<128xi32, #tpu.memory_space<vmem>>
        %dma_wait3A_22 = arith.constant 0 : i32
        %dma_wait3A_23 = tpu.memref_slice %arg8[%dma_wait3A_22] : memref<10240xf32, #tpu.memory_space<vmem_shared>> -> memref<10240xf32, #tpu.memory_space<vmem_shared>>
        tpu.wait_indirect_dma semaphore(%run_scoped3A : memref<!tpu.dma_semaphore, #tpu.memory_space<semaphore_mem>>) src(%arg7 : memref<128xf32, #tpu.memory_space<vmem>>) dst(%dma_wait3A_23 : memref<10240xf32, #tpu.memory_space<vmem_shared>>)
        tpu.yield
      }) : () -> ()
    }
    %scan3A_9 = arith.constant 80 : i32
    %barrier3A_10 = arith.constant 0 : index
    tpu.barrier barrier_id(%barrier3A_10)
    %mul3A_11 = arith.constant 640 : i32
    %mul3A_12 = arith.muli %arg1, %mul3A_11 : i32
    %mul3A_13 = arith.constant 640 : i32
    %mul3A_14 = arith.muli %arg1, %mul3A_13 : i32
    "tpu.region"() ({
      %run_scoped3A = tpu.sem_alloc : memref<!tpu.dma_semaphore, #tpu.memory_space<semaphore_mem>>
      %dma_start3A = tpu.memref_slice %arg5[%arg0, %mul3A_14] : memref<2x10240xf32, #tpu.memory_space<hbm>> -> memref<1x640xf32, #tpu.memory_space<hbm>>
      %dma_start3A_15 = tpu.memref_squeeze %dma_start3A : memref<1x640xf32, #tpu.memory_space<hbm>> -> memref<640xf32, #tpu.memory_space<hbm>>
      %dma_start3A_16 = tpu.memref_slice %arg8[%mul3A_12] : memref<10240xf32, #tpu.memory_space<vmem_shared>> -> memref<640xf32, #tpu.memory_space<vmem_shared>>
      tpu.enqueue_dma source(%dma_start3A_16 : memref<640xf32, #tpu.memory_space<vmem_shared>>) target(%dma_start3A_15 : memref<640xf32, #tpu.memory_space<hbm>>) target_semaphore(%run_scoped3A : memref<!tpu.dma_semaphore, #tpu.memory_space<semaphore_mem>>)
      %dma_wait3A = tpu.memref_slice %arg5[%arg0, %mul3A_14] : memref<2x10240xf32, #tpu.memory_space<hbm>> -> memref<1x640xf32, #tpu.memory_space<hbm>>
      %dma_wait3A_17 = tpu.memref_squeeze %dma_wait3A : memref<1x640xf32, #tpu.memory_space<hbm>> -> memref<640xf32, #tpu.memory_space<hbm>>
      %dma_wait3A_18 = tpu.memref_slice %arg8[%mul3A_12] : memref<10240xf32, #tpu.memory_space<vmem_shared>> -> memref<640xf32, #tpu.memory_space<vmem_shared>>
      tpu.wait_dma2 semaphore(%run_scoped3A : memref<!tpu.dma_semaphore, #tpu.memory_space<semaphore_mem>>) src(%dma_wait3A_18 : memref<640xf32, #tpu.memory_space<vmem_shared>>) dst(%dma_wait3A_17 : memref<640xf32, #tpu.memory_space<hbm>>)
      tpu.yield
    }) : () -> ()
    return
  }
}

#map = affine_map<(d0, d1) -> (0, 0)>
#map1 = affine_map<(d0, d1) -> (0, 0, 0)>
module attributes {stable_mosaic.version = 14 : i64} {
  func.func @k(%arg0: i32, %arg1: i32, %arg2: memref<10240x128xf32, #tpu.memory_space<hbm>>, %arg3: memref<32x80x128xi32, #tpu.memory_space<hbm>>, %arg4: memref<32x80x128xi32, #tpu.memory_space<hbm>>, %arg5: memref<10240x128xf32, #tpu.memory_space<hbm>>, %arg6: memref<2x10240x128xf32, #tpu.memory_space<hbm>>, %arg7: memref<40x128xi32, #tpu.memory_space<vmem>>, %arg8: memref<40x128xi32, #tpu.memory_space<vmem>>, %arg9: memref<128x128xf32, #tpu.memory_space<vmem>>, %arg10: memref<128x128xf32, #tpu.memory_space<vmem>>, %arg11: memref<10240x128xf32, #tpu.memory_space<vmem_shared>>, %arg12: memref<!tpu.dma_semaphore, #tpu.memory_space<semaphore_mem>>, %arg13: memref<!tpu.dma_semaphore, #tpu.memory_space<semaphore_mem>>) attributes {dimension_semantics = [#tpu.dimension_semantics<core_parallel>, #tpu.dimension_semantics<subcore_parallel>], iteration_bounds = array<i64: 2, 16>, scalar_prefetch = 0 : i64, scratch_operands = 7 : i64, tpu.core_type = #tpu.core_type<sc_vector_subcore>, window_params = [{transform_indices = #map}, {transform_indices = #map1}, {transform_indices = #map1}, {transform_indices = #map}, {transform_indices = #map1}]} {
    %mul3A = arith.constant 16 : i32
    %mul3A_0 = arith.muli %arg0, %mul3A : i32
    %add3A = arith.addi %mul3A_0, %arg1 : i32
    %mul3A_1 = arith.constant 640 : i32
    %mul3A_2 = arith.muli %arg1, %mul3A_1 : i32
    %mul3A_3 = arith.constant 640 : i32
    %mul3A_4 = arith.muli %arg1, %mul3A_3 : i32
    "tpu.region"() ({
      %run_scoped3A = tpu.sem_alloc : memref<!tpu.dma_semaphore, #tpu.memory_space<semaphore_mem>>
      %dma_start3A = arith.constant 0 : i32
      %dma_start3A_15 = tpu.memref_slice %arg11[%mul3A_4, %dma_start3A] : memref<10240x128xf32, #tpu.memory_space<vmem_shared>> -> memref<640x128xf32, #tpu.memory_space<vmem_shared>>
      %dma_start3A_16 = arith.constant 0 : i32
      %dma_start3A_17 = tpu.memref_slice %arg5[%mul3A_2, %dma_start3A_16] : memref<10240x128xf32, #tpu.memory_space<hbm>> -> memref<640x128xf32, #tpu.memory_space<hbm>>
      tpu.enqueue_dma source(%dma_start3A_17 : memref<640x128xf32, #tpu.memory_space<hbm>>) target(%dma_start3A_15 : memref<640x128xf32, #tpu.memory_space<vmem_shared>>) target_semaphore(%run_scoped3A : memref<!tpu.dma_semaphore, #tpu.memory_space<semaphore_mem>>)
      %dma_wait3A = arith.constant 0 : i32
      %dma_wait3A_18 = tpu.memref_slice %arg11[%mul3A_4, %dma_wait3A] : memref<10240x128xf32, #tpu.memory_space<vmem_shared>> -> memref<640x128xf32, #tpu.memory_space<vmem_shared>>
      %dma_wait3A_19 = arith.constant 0 : i32
      %dma_wait3A_20 = tpu.memref_slice %arg5[%mul3A_2, %dma_wait3A_19] : memref<10240x128xf32, #tpu.memory_space<hbm>> -> memref<640x128xf32, #tpu.memory_space<hbm>>
      tpu.wait_dma2 semaphore(%run_scoped3A : memref<!tpu.dma_semaphore, #tpu.memory_space<semaphore_mem>>) src(%dma_wait3A_20 : memref<640x128xf32, #tpu.memory_space<hbm>>) dst(%dma_wait3A_18 : memref<640x128xf32, #tpu.memory_space<vmem_shared>>)
      tpu.yield
    }) : () -> ()
    %barrier3A = arith.constant 0 : index
    tpu.barrier barrier_id(%barrier3A)
    %scan3A = arith.constant 0 : i32
    %scan3A_5 = arith.constant 0 : i32
    %scan3A_6 = arith.constant 2 : i32
    %scan3A_7 = arith.addi %scan3A_5, %scan3A_6 : i32
    %scan3A_8 = arith.constant 1 : i32
    scf.for %scan3A_15 = %scan3A_5 to %scan3A_7 step %scan3A_8  : i32 {
      %mul3A_16 = arith.constant 40 : i32
      %mul3A_17 = arith.muli %scan3A_15, %mul3A_16 : i32
      "tpu.region"() ({
        %run_scoped3A = tpu.sem_alloc : memref<!tpu.dma_semaphore, #tpu.memory_space<semaphore_mem>>
        %dma_start3A_32 = arith.constant 0 : i32
        %dma_start3A_33 = tpu.memref_slice %arg3[%add3A, %mul3A_17, %dma_start3A_32] : memref<32x80x128xi32, #tpu.memory_space<hbm>> -> memref<1x40x128xi32, #tpu.memory_space<hbm>>
        %dma_start3A_34 = tpu.memref_squeeze %dma_start3A_33 : memref<1x40x128xi32, #tpu.memory_space<hbm>> -> memref<40x128xi32, #tpu.memory_space<hbm>>
        %dma_start3A_35 = arith.constant 0 : i32
        %dma_start3A_36 = tpu.memref_slice %arg3[%add3A, %mul3A_17, %dma_start3A_35] : memref<32x80x128xi32, #tpu.memory_space<hbm>> -> memref<1x40x128xi32, #tpu.memory_space<hbm>>
        %dma_start3A_37 = tpu.memref_squeeze %dma_start3A_36 : memref<1x40x128xi32, #tpu.memory_space<hbm>> -> memref<40x128xi32, #tpu.memory_space<hbm>>
        tpu.enqueue_dma source(%dma_start3A_37 : memref<40x128xi32, #tpu.memory_space<hbm>>) target(%arg7 : memref<40x128xi32, #tpu.memory_space<vmem>>) target_semaphore(%run_scoped3A : memref<!tpu.dma_semaphore, #tpu.memory_space<semaphore_mem>>)
        %dma_wait3A = arith.constant 0 : i32
        %dma_wait3A_38 = tpu.memref_slice %arg3[%add3A, %mul3A_17, %dma_wait3A] : memref<32x80x128xi32, #tpu.memory_space<hbm>> -> memref<1x40x128xi32, #tpu.memory_space<hbm>>
        %dma_wait3A_39 = tpu.memref_squeeze %dma_wait3A_38 : memref<1x40x128xi32, #tpu.memory_space<hbm>> -> memref<40x128xi32, #tpu.memory_space<hbm>>
        %dma_wait3A_40 = arith.constant 0 : i32
        %dma_wait3A_41 = tpu.memref_slice %arg3[%add3A, %mul3A_17, %dma_wait3A_40] : memref<32x80x128xi32, #tpu.memory_space<hbm>> -> memref<1x40x128xi32, #tpu.memory_space<hbm>>
        %dma_wait3A_42 = tpu.memref_squeeze %dma_wait3A_41 : memref<1x40x128xi32, #tpu.memory_space<hbm>> -> memref<40x128xi32, #tpu.memory_space<hbm>>
        tpu.wait_dma2 semaphore(%run_scoped3A : memref<!tpu.dma_semaphore, #tpu.memory_space<semaphore_mem>>) src(%dma_wait3A_42 : memref<40x128xi32, #tpu.memory_space<hbm>>) dst(%arg7 : memref<40x128xi32, #tpu.memory_space<vmem>>)
        tpu.yield
      }) : () -> ()
      %mul3A_18 = arith.constant 40 : i32
      %mul3A_19 = arith.muli %scan3A_15, %mul3A_18 : i32
      "tpu.region"() ({
        %run_scoped3A = tpu.sem_alloc : memref<!tpu.dma_semaphore, #tpu.memory_space<semaphore_mem>>
        %dma_start3A_32 = arith.constant 0 : i32
        %dma_start3A_33 = tpu.memref_slice %arg4[%add3A, %mul3A_19, %dma_start3A_32] : memref<32x80x128xi32, #tpu.memory_space<hbm>> -> memref<1x40x128xi32, #tpu.memory_space<hbm>>
        %dma_start3A_34 = tpu.memref_squeeze %dma_start3A_33 : memref<1x40x128xi32, #tpu.memory_space<hbm>> -> memref<40x128xi32, #tpu.memory_space<hbm>>
        %dma_start3A_35 = arith.constant 0 : i32
        %dma_start3A_36 = tpu.memref_slice %arg4[%add3A, %mul3A_19, %dma_start3A_35] : memref<32x80x128xi32, #tpu.memory_space<hbm>> -> memref<1x40x128xi32, #tpu.memory_space<hbm>>
        %dma_start3A_37 = tpu.memref_squeeze %dma_start3A_36 : memref<1x40x128xi32, #tpu.memory_space<hbm>> -> memref<40x128xi32, #tpu.memory_space<hbm>>
        tpu.enqueue_dma source(%dma_start3A_37 : memref<40x128xi32, #tpu.memory_space<hbm>>) target(%arg8 : memref<40x128xi32, #tpu.memory_space<vmem>>) target_semaphore(%run_scoped3A : memref<!tpu.dma_semaphore, #tpu.memory_space<semaphore_mem>>)
        %dma_wait3A = arith.constant 0 : i32
        %dma_wait3A_38 = tpu.memref_slice %arg4[%add3A, %mul3A_19, %dma_wait3A] : memref<32x80x128xi32, #tpu.memory_space<hbm>> -> memref<1x40x128xi32, #tpu.memory_space<hbm>>
        %dma_wait3A_39 = tpu.memref_squeeze %dma_wait3A_38 : memref<1x40x128xi32, #tpu.memory_space<hbm>> -> memref<40x128xi32, #tpu.memory_space<hbm>>
        %dma_wait3A_40 = arith.constant 0 : i32
        %dma_wait3A_41 = tpu.memref_slice %arg4[%add3A, %mul3A_19, %dma_wait3A_40] : memref<32x80x128xi32, #tpu.memory_space<hbm>> -> memref<1x40x128xi32, #tpu.memory_space<hbm>>
        %dma_wait3A_42 = tpu.memref_squeeze %dma_wait3A_41 : memref<1x40x128xi32, #tpu.memory_space<hbm>> -> memref<40x128xi32, #tpu.memory_space<hbm>>
        tpu.wait_dma2 semaphore(%run_scoped3A : memref<!tpu.dma_semaphore, #tpu.memory_space<semaphore_mem>>) src(%dma_wait3A_42 : memref<40x128xi32, #tpu.memory_space<hbm>>) dst(%arg8 : memref<40x128xi32, #tpu.memory_space<vmem>>)
        tpu.yield
      }) : () -> ()
      %dma_start3A = arith.constant 0 : i32
      %dma_start3A_20 = arith.constant 0 : i32
      %dma_start3A_21 = tpu.memref_slice %arg7[%dma_start3A, %dma_start3A_20] : memref<40x128xi32, #tpu.memory_space<vmem>> -> memref<1x128xi32, #tpu.memory_space<vmem>>
      %dma_start3A_22 = tpu.memref_squeeze %dma_start3A_21 : memref<1x128xi32, #tpu.memory_space<vmem>> -> memref<128xi32, #tpu.memory_space<vmem>>
      %dma_start3A_23 = arith.constant 0 : i32
      %dma_start3A_24 = arith.constant 0 : i32
      %dma_start3A_25 = tpu.memref_slice %arg2[%dma_start3A_23, %dma_start3A_24] : memref<10240x128xf32, #tpu.memory_space<hbm>> -> memref<10240x128xf32, #tpu.memory_space<hbm>>
      tpu.enqueue_indirect_dma source(%dma_start3A_25 : memref<10240x128xf32, #tpu.memory_space<hbm>>) target(%arg9 : memref<128x128xf32, #tpu.memory_space<vmem>>) offsets(%dma_start3A_22 : memref<128xi32, #tpu.memory_space<vmem>>) semaphore(%arg12 : memref<!tpu.dma_semaphore, #tpu.memory_space<semaphore_mem>>)
      %scan3A_26 = arith.constant 0 : i32
      %scan3A_27 = arith.constant 0 : i32
      %scan3A_28 = arith.constant 20 : i32
      %scan3A_29 = arith.addi %scan3A_27, %scan3A_28 : i32
      %scan3A_30 = arith.constant 1 : i32
      scf.for %scan3A_32 = %scan3A_27 to %scan3A_29 step %scan3A_30  : i32 {
        %mul3A_33 = arith.constant 2 : i32
        %mul3A_34 = arith.muli %scan3A_32, %mul3A_33 : i32
        %add3A_35 = arith.constant 1 : i32
        %add3A_36 = arith.addi %mul3A_34, %add3A_35 : i32
        %dma_start3A_37 = arith.constant 0 : i32
        %dma_start3A_38 = tpu.memref_slice %arg7[%add3A_36, %dma_start3A_37] : memref<40x128xi32, #tpu.memory_space<vmem>> -> memref<1x128xi32, #tpu.memory_space<vmem>>
        %dma_start3A_39 = tpu.memref_squeeze %dma_start3A_38 : memref<1x128xi32, #tpu.memory_space<vmem>> -> memref<128xi32, #tpu.memory_space<vmem>>
        %dma_start3A_40 = arith.constant 0 : i32
        %dma_start3A_41 = arith.constant 0 : i32
        %dma_start3A_42 = tpu.memref_slice %arg2[%dma_start3A_40, %dma_start3A_41] : memref<10240x128xf32, #tpu.memory_space<hbm>> -> memref<10240x128xf32, #tpu.memory_space<hbm>>
        tpu.enqueue_indirect_dma source(%dma_start3A_42 : memref<10240x128xf32, #tpu.memory_space<hbm>>) target(%arg10 : memref<128x128xf32, #tpu.memory_space<vmem>>) offsets(%dma_start3A_39 : memref<128xi32, #tpu.memory_space<vmem>>) semaphore(%arg13 : memref<!tpu.dma_semaphore, #tpu.memory_space<semaphore_mem>>)
        %dma_wait3A = arith.constant 0 : i32
        %dma_wait3A_43 = tpu.memref_slice %arg7[%mul3A_34, %dma_wait3A] : memref<40x128xi32, #tpu.memory_space<vmem>> -> memref<1x128xi32, #tpu.memory_space<vmem>>
        %dma_wait3A_44 = tpu.memref_squeeze %dma_wait3A_43 : memref<1x128xi32, #tpu.memory_space<vmem>> -> memref<128xi32, #tpu.memory_space<vmem>>
        %dma_wait3A_45 = arith.constant 0 : i32
        %dma_wait3A_46 = arith.constant 0 : i32
        %dma_wait3A_47 = tpu.memref_slice %arg2[%dma_wait3A_45, %dma_wait3A_46] : memref<10240x128xf32, #tpu.memory_space<hbm>> -> memref<10240x128xf32, #tpu.memory_space<hbm>>
        tpu.wait_indirect_dma semaphore(%arg12 : memref<!tpu.dma_semaphore, #tpu.memory_space<semaphore_mem>>) src(%dma_wait3A_47 : memref<10240x128xf32, #tpu.memory_space<hbm>>) dst(%arg9 : memref<128x128xf32, #tpu.memory_space<vmem>>)
        "tpu.region"() ({
          %run_scoped3A = tpu.sem_alloc : memref<!tpu.dma_semaphore, #tpu.memory_space<semaphore_mem>>
          %dma_start3A_62 = arith.constant 0 : i32
          %dma_start3A_63 = tpu.memref_slice %arg8[%mul3A_34, %dma_start3A_62] : memref<40x128xi32, #tpu.memory_space<vmem>> -> memref<1x128xi32, #tpu.memory_space<vmem>>
          %dma_start3A_64 = tpu.memref_squeeze %dma_start3A_63 : memref<1x128xi32, #tpu.memory_space<vmem>> -> memref<128xi32, #tpu.memory_space<vmem>>
          %dma_start3A_65 = arith.constant 0 : i32
          %dma_start3A_66 = arith.constant 0 : i32
          %dma_start3A_67 = tpu.memref_slice %arg11[%dma_start3A_65, %dma_start3A_66] : memref<10240x128xf32, #tpu.memory_space<vmem_shared>> -> memref<10240x128xf32, #tpu.memory_space<vmem_shared>>
          tpu.enqueue_indirect_dma source(%arg9 : memref<128x128xf32, #tpu.memory_space<vmem>>) target(%dma_start3A_67 : memref<10240x128xf32, #tpu.memory_space<vmem_shared>>) offsets(%dma_start3A_64 : memref<128xi32, #tpu.memory_space<vmem>>) semaphore(%run_scoped3A : memref<!tpu.dma_semaphore, #tpu.memory_space<semaphore_mem>>) {add = true}
          %dma_wait3A_68 = arith.constant 0 : i32
          %dma_wait3A_69 = tpu.memref_slice %arg8[%mul3A_34, %dma_wait3A_68] : memref<40x128xi32, #tpu.memory_space<vmem>> -> memref<1x128xi32, #tpu.memory_space<vmem>>
          %dma_wait3A_70 = tpu.memref_squeeze %dma_wait3A_69 : memref<1x128xi32, #tpu.memory_space<vmem>> -> memref<128xi32, #tpu.memory_space<vmem>>
          %dma_wait3A_71 = arith.constant 0 : i32
          %dma_wait3A_72 = arith.constant 0 : i32
          %dma_wait3A_73 = tpu.memref_slice %arg11[%dma_wait3A_71, %dma_wait3A_72] : memref<10240x128xf32, #tpu.memory_space<vmem_shared>> -> memref<10240x128xf32, #tpu.memory_space<vmem_shared>>
          tpu.wait_indirect_dma semaphore(%run_scoped3A : memref<!tpu.dma_semaphore, #tpu.memory_space<semaphore_mem>>) src(%arg9 : memref<128x128xf32, #tpu.memory_space<vmem>>) dst(%dma_wait3A_73 : memref<10240x128xf32, #tpu.memory_space<vmem_shared>>)
          tpu.yield
        }) : () -> ()
        %add3A_48 = arith.constant 2 : i32
        %add3A_49 = arith.addi %mul3A_34, %add3A_48 : i32
        %lt3A = arith.constant 40 : i32
        %lt3A_50 = arith.cmpi slt, %add3A_49, %lt3A : i32
        %convert_element_type3A = arith.extui %lt3A_50 : i1 to i32
        %cond3A = arith.constant 0 : i32
        %cond3A_51 = arith.cmpi ne, %convert_element_type3A, %cond3A : i32
        scf.if %cond3A_51 {
          %add3A_62 = arith.constant 2 : i32
          %add3A_63 = arith.addi %mul3A_34, %add3A_62 : i32
          %dma_start3A_64 = arith.constant 0 : i32
          %dma_start3A_65 = tpu.memref_slice %arg7[%add3A_63, %dma_start3A_64] : memref<40x128xi32, #tpu.memory_space<vmem>> -> memref<1x128xi32, #tpu.memory_space<vmem>>
          %dma_start3A_66 = tpu.memref_squeeze %dma_start3A_65 : memref<1x128xi32, #tpu.memory_space<vmem>> -> memref<128xi32, #tpu.memory_space<vmem>>
          %dma_start3A_67 = arith.constant 0 : i32
          %dma_start3A_68 = arith.constant 0 : i32
          %dma_start3A_69 = tpu.memref_slice %arg2[%dma_start3A_67, %dma_start3A_68] : memref<10240x128xf32, #tpu.memory_space<hbm>> -> memref<10240x128xf32, #tpu.memory_space<hbm>>
          tpu.enqueue_indirect_dma source(%dma_start3A_69 : memref<10240x128xf32, #tpu.memory_space<hbm>>) target(%arg9 : memref<128x128xf32, #tpu.memory_space<vmem>>) offsets(%dma_start3A_66 : memref<128xi32, #tpu.memory_space<vmem>>) semaphore(%arg12 : memref<!tpu.dma_semaphore, #tpu.memory_space<semaphore_mem>>)
        } else {
        }
        %add3A_52 = arith.constant 1 : i32
        %add3A_53 = arith.addi %mul3A_34, %add3A_52 : i32
        %dma_wait3A_54 = arith.constant 0 : i32
        %dma_wait3A_55 = tpu.memref_slice %arg7[%add3A_53, %dma_wait3A_54] : memref<40x128xi32, #tpu.memory_space<vmem>> -> memref<1x128xi32, #tpu.memory_space<vmem>>
        %dma_wait3A_56 = tpu.memref_squeeze %dma_wait3A_55 : memref<1x128xi32, #tpu.memory_space<vmem>> -> memref<128xi32, #tpu.memory_space<vmem>>
        %dma_wait3A_57 = arith.constant 0 : i32
        %dma_wait3A_58 = arith.constant 0 : i32
        %dma_wait3A_59 = tpu.memref_slice %arg2[%dma_wait3A_57, %dma_wait3A_58] : memref<10240x128xf32, #tpu.memory_space<hbm>> -> memref<10240x128xf32, #tpu.memory_space<hbm>>
        tpu.wait_indirect_dma semaphore(%arg13 : memref<!tpu.dma_semaphore, #tpu.memory_space<semaphore_mem>>) src(%dma_wait3A_59 : memref<10240x128xf32, #tpu.memory_space<hbm>>) dst(%arg10 : memref<128x128xf32, #tpu.memory_space<vmem>>)
        %add3A_60 = arith.constant 1 : i32
        %add3A_61 = arith.addi %mul3A_34, %add3A_60 : i32
        "tpu.region"() ({
          %run_scoped3A = tpu.sem_alloc : memref<!tpu.dma_semaphore, #tpu.memory_space<semaphore_mem>>
          %dma_start3A_62 = arith.constant 0 : i32
          %dma_start3A_63 = tpu.memref_slice %arg8[%add3A_61, %dma_start3A_62] : memref<40x128xi32, #tpu.memory_space<vmem>> -> memref<1x128xi32, #tpu.memory_space<vmem>>
          %dma_start3A_64 = tpu.memref_squeeze %dma_start3A_63 : memref<1x128xi32, #tpu.memory_space<vmem>> -> memref<128xi32, #tpu.memory_space<vmem>>
          %dma_start3A_65 = arith.constant 0 : i32
          %dma_start3A_66 = arith.constant 0 : i32
          %dma_start3A_67 = tpu.memref_slice %arg11[%dma_start3A_65, %dma_start3A_66] : memref<10240x128xf32, #tpu.memory_space<vmem_shared>> -> memref<10240x128xf32, #tpu.memory_space<vmem_shared>>
          tpu.enqueue_indirect_dma source(%arg10 : memref<128x128xf32, #tpu.memory_space<vmem>>) target(%dma_start3A_67 : memref<10240x128xf32, #tpu.memory_space<vmem_shared>>) offsets(%dma_start3A_64 : memref<128xi32, #tpu.memory_space<vmem>>) semaphore(%run_scoped3A : memref<!tpu.dma_semaphore, #tpu.memory_space<semaphore_mem>>) {add = true}
          %dma_wait3A_68 = arith.constant 0 : i32
          %dma_wait3A_69 = tpu.memref_slice %arg8[%add3A_61, %dma_wait3A_68] : memref<40x128xi32, #tpu.memory_space<vmem>> -> memref<1x128xi32, #tpu.memory_space<vmem>>
          %dma_wait3A_70 = tpu.memref_squeeze %dma_wait3A_69 : memref<1x128xi32, #tpu.memory_space<vmem>> -> memref<128xi32, #tpu.memory_space<vmem>>
          %dma_wait3A_71 = arith.constant 0 : i32
          %dma_wait3A_72 = arith.constant 0 : i32
          %dma_wait3A_73 = tpu.memref_slice %arg11[%dma_wait3A_71, %dma_wait3A_72] : memref<10240x128xf32, #tpu.memory_space<vmem_shared>> -> memref<10240x128xf32, #tpu.memory_space<vmem_shared>>
          tpu.wait_indirect_dma semaphore(%run_scoped3A : memref<!tpu.dma_semaphore, #tpu.memory_space<semaphore_mem>>) src(%arg10 : memref<128x128xf32, #tpu.memory_space<vmem>>) dst(%dma_wait3A_73 : memref<10240x128xf32, #tpu.memory_space<vmem_shared>>)
          tpu.yield
        }) : () -> ()
      }
      %scan3A_31 = arith.constant 20 : i32
    }
    %scan3A_9 = arith.constant 2 : i32
    %barrier3A_10 = arith.constant 0 : index
    tpu.barrier barrier_id(%barrier3A_10)
    %mul3A_11 = arith.constant 640 : i32
    %mul3A_12 = arith.muli %arg1, %mul3A_11 : i32
    %mul3A_13 = arith.constant 640 : i32
    %mul3A_14 = arith.muli %arg1, %mul3A_13 : i32
    "tpu.region"() ({
      %run_scoped3A = tpu.sem_alloc : memref<!tpu.dma_semaphore, #tpu.memory_space<semaphore_mem>>
      %dma_start3A = arith.constant 0 : i32
      %dma_start3A_15 = tpu.memref_slice %arg6[%arg0, %mul3A_14, %dma_start3A] : memref<2x10240x128xf32, #tpu.memory_space<hbm>> -> memref<1x640x128xf32, #tpu.memory_space<hbm>>
      %dma_start3A_16 = tpu.memref_squeeze %dma_start3A_15 : memref<1x640x128xf32, #tpu.memory_space<hbm>> -> memref<640x128xf32, #tpu.memory_space<hbm>>
      %dma_start3A_17 = arith.constant 0 : i32
      %dma_start3A_18 = tpu.memref_slice %arg11[%mul3A_12, %dma_start3A_17] : memref<10240x128xf32, #tpu.memory_space<vmem_shared>> -> memref<640x128xf32, #tpu.memory_space<vmem_shared>>
      tpu.enqueue_dma source(%dma_start3A_18 : memref<640x128xf32, #tpu.memory_space<vmem_shared>>) target(%dma_start3A_16 : memref<640x128xf32, #tpu.memory_space<hbm>>) target_semaphore(%run_scoped3A : memref<!tpu.dma_semaphore, #tpu.memory_space<semaphore_mem>>)
      %dma_wait3A = arith.constant 0 : i32
      %dma_wait3A_19 = tpu.memref_slice %arg6[%arg0, %mul3A_14, %dma_wait3A] : memref<2x10240x128xf32, #tpu.memory_space<hbm>> -> memref<1x640x128xf32, #tpu.memory_space<hbm>>
      %dma_wait3A_20 = tpu.memref_squeeze %dma_wait3A_19 : memref<1x640x128xf32, #tpu.memory_space<hbm>> -> memref<640x128xf32, #tpu.memory_space<hbm>>
      %dma_wait3A_21 = arith.constant 0 : i32
      %dma_wait3A_22 = tpu.memref_slice %arg11[%mul3A_12, %dma_wait3A_21] : memref<10240x128xf32, #tpu.memory_space<vmem_shared>> -> memref<640x128xf32, #tpu.memory_space<vmem_shared>>
      tpu.wait_dma2 semaphore(%run_scoped3A : memref<!tpu.dma_semaphore, #tpu.memory_space<semaphore_mem>>) src(%dma_wait3A_22 : memref<640x128xf32, #tpu.memory_space<vmem_shared>>) dst(%dma_wait3A_20 : memref<640x128xf32, #tpu.memory_space<hbm>>)
      tpu.yield
    }) : () -> ()
    return
  }
}

#map = affine_map<(d0, d1) -> (0, 0)>
#map1 = affine_map<(d0, d1) -> (0, 0, 0)>
module attributes {stable_mosaic.version = 14 : i64} {
  func.func @k(%arg0: i32, %arg1: i32, %arg2: memref<10240x128xf32, #tpu.memory_space<hbm>>, %arg3: memref<32x80x128xi32, #tpu.memory_space<hbm>>, %arg4: memref<32x80x128xi32, #tpu.memory_space<hbm>>, %arg5: memref<10240x128xf32, #tpu.memory_space<hbm>>, %arg6: memref<2x10240x128xf32, #tpu.memory_space<hbm>>, %arg7: memref<40x128xi32, #tpu.memory_space<vmem>>, %arg8: memref<40x128xi32, #tpu.memory_space<vmem>>, %arg9: memref<128x128xf32, #tpu.memory_space<vmem>>, %arg10: memref<128x128xf32, #tpu.memory_space<vmem>>, %arg11: memref<10240x128xf32, #tpu.memory_space<vmem_shared>>, %arg12: memref<!tpu.dma_semaphore, #tpu.memory_space<semaphore_mem>>, %arg13: memref<!tpu.dma_semaphore, #tpu.memory_space<semaphore_mem>>) attributes {dimension_semantics = [#tpu.dimension_semantics<core_parallel>, #tpu.dimension_semantics<subcore_parallel>], iteration_bounds = array<i64: 2, 16>, scalar_prefetch = 0 : i64, scratch_operands = 7 : i64, tpu.core_type = #tpu.core_type<sc_vector_subcore>, window_params = [{transform_indices = #map}, {transform_indices = #map1}, {transform_indices = #map1}, {transform_indices = #map}, {transform_indices = #map1}]} {
    %mul3A = arith.constant 16 : i32
    %mul3A_0 = arith.muli %arg0, %mul3A : i32
    %add3A = arith.addi %mul3A_0, %arg1 : i32
    %mul3A_1 = arith.constant 640 : i32
    %mul3A_2 = arith.muli %arg1, %mul3A_1 : i32
    %mul3A_3 = arith.constant 640 : i32
    %mul3A_4 = arith.muli %arg1, %mul3A_3 : i32
    "tpu.region"() ({
      %run_scoped3A = tpu.sem_alloc : memref<!tpu.dma_semaphore, #tpu.memory_space<semaphore_mem>>
      %dma_start3A = arith.constant 0 : i32
      %dma_start3A_15 = tpu.memref_slice %arg11[%mul3A_4, %dma_start3A] : memref<10240x128xf32, #tpu.memory_space<vmem_shared>> -> memref<640x128xf32, #tpu.memory_space<vmem_shared>>
      %dma_start3A_16 = arith.constant 0 : i32
      %dma_start3A_17 = tpu.memref_slice %arg5[%mul3A_2, %dma_start3A_16] : memref<10240x128xf32, #tpu.memory_space<hbm>> -> memref<640x128xf32, #tpu.memory_space<hbm>>
      tpu.enqueue_dma source(%dma_start3A_17 : memref<640x128xf32, #tpu.memory_space<hbm>>) target(%dma_start3A_15 : memref<640x128xf32, #tpu.memory_space<vmem_shared>>) target_semaphore(%run_scoped3A : memref<!tpu.dma_semaphore, #tpu.memory_space<semaphore_mem>>)
      %dma_wait3A = arith.constant 0 : i32
      %dma_wait3A_18 = tpu.memref_slice %arg11[%mul3A_4, %dma_wait3A] : memref<10240x128xf32, #tpu.memory_space<vmem_shared>> -> memref<640x128xf32, #tpu.memory_space<vmem_shared>>
      %dma_wait3A_19 = arith.constant 0 : i32
      %dma_wait3A_20 = tpu.memref_slice %arg5[%mul3A_2, %dma_wait3A_19] : memref<10240x128xf32, #tpu.memory_space<hbm>> -> memref<640x128xf32, #tpu.memory_space<hbm>>
      tpu.wait_dma2 semaphore(%run_scoped3A : memref<!tpu.dma_semaphore, #tpu.memory_space<semaphore_mem>>) src(%dma_wait3A_20 : memref<640x128xf32, #tpu.memory_space<hbm>>) dst(%dma_wait3A_18 : memref<640x128xf32, #tpu.memory_space<vmem_shared>>)
      tpu.yield
    }) : () -> ()
    %barrier3A = arith.constant 0 : index
    tpu.barrier barrier_id(%barrier3A)
    %scan3A = arith.constant 0 : i32
    %scan3A_5 = arith.constant 0 : i32
    %scan3A_6 = arith.constant 2 : i32
    %scan3A_7 = arith.addi %scan3A_5, %scan3A_6 : i32
    %scan3A_8 = arith.constant 1 : i32
    scf.for %scan3A_15 = %scan3A_5 to %scan3A_7 step %scan3A_8  : i32 {
      %mul3A_16 = arith.constant 40 : i32
      %mul3A_17 = arith.muli %scan3A_15, %mul3A_16 : i32
      "tpu.region"() ({
        %run_scoped3A = tpu.sem_alloc : memref<!tpu.dma_semaphore, #tpu.memory_space<semaphore_mem>>
        %dma_start3A_32 = arith.constant 0 : i32
        %dma_start3A_33 = tpu.memref_slice %arg3[%add3A, %mul3A_17, %dma_start3A_32] : memref<32x80x128xi32, #tpu.memory_space<hbm>> -> memref<1x40x128xi32, #tpu.memory_space<hbm>>
        %dma_start3A_34 = tpu.memref_squeeze %dma_start3A_33 : memref<1x40x128xi32, #tpu.memory_space<hbm>> -> memref<40x128xi32, #tpu.memory_space<hbm>>
        %dma_start3A_35 = arith.constant 0 : i32
        %dma_start3A_36 = tpu.memref_slice %arg3[%add3A, %mul3A_17, %dma_start3A_35] : memref<32x80x128xi32, #tpu.memory_space<hbm>> -> memref<1x40x128xi32, #tpu.memory_space<hbm>>
        %dma_start3A_37 = tpu.memref_squeeze %dma_start3A_36 : memref<1x40x128xi32, #tpu.memory_space<hbm>> -> memref<40x128xi32, #tpu.memory_space<hbm>>
        tpu.enqueue_dma source(%dma_start3A_37 : memref<40x128xi32, #tpu.memory_space<hbm>>) target(%arg7 : memref<40x128xi32, #tpu.memory_space<vmem>>) target_semaphore(%run_scoped3A : memref<!tpu.dma_semaphore, #tpu.memory_space<semaphore_mem>>)
        %dma_wait3A = arith.constant 0 : i32
        %dma_wait3A_38 = tpu.memref_slice %arg3[%add3A, %mul3A_17, %dma_wait3A] : memref<32x80x128xi32, #tpu.memory_space<hbm>> -> memref<1x40x128xi32, #tpu.memory_space<hbm>>
        %dma_wait3A_39 = tpu.memref_squeeze %dma_wait3A_38 : memref<1x40x128xi32, #tpu.memory_space<hbm>> -> memref<40x128xi32, #tpu.memory_space<hbm>>
        %dma_wait3A_40 = arith.constant 0 : i32
        %dma_wait3A_41 = tpu.memref_slice %arg3[%add3A, %mul3A_17, %dma_wait3A_40] : memref<32x80x128xi32, #tpu.memory_space<hbm>> -> memref<1x40x128xi32, #tpu.memory_space<hbm>>
        %dma_wait3A_42 = tpu.memref_squeeze %dma_wait3A_41 : memref<1x40x128xi32, #tpu.memory_space<hbm>> -> memref<40x128xi32, #tpu.memory_space<hbm>>
        tpu.wait_dma2 semaphore(%run_scoped3A : memref<!tpu.dma_semaphore, #tpu.memory_space<semaphore_mem>>) src(%dma_wait3A_42 : memref<40x128xi32, #tpu.memory_space<hbm>>) dst(%arg7 : memref<40x128xi32, #tpu.memory_space<vmem>>)
        tpu.yield
      }) : () -> ()
      %mul3A_18 = arith.constant 40 : i32
      %mul3A_19 = arith.muli %scan3A_15, %mul3A_18 : i32
      "tpu.region"() ({
        %run_scoped3A = tpu.sem_alloc : memref<!tpu.dma_semaphore, #tpu.memory_space<semaphore_mem>>
        %dma_start3A_32 = arith.constant 0 : i32
        %dma_start3A_33 = tpu.memref_slice %arg4[%add3A, %mul3A_19, %dma_start3A_32] : memref<32x80x128xi32, #tpu.memory_space<hbm>> -> memref<1x40x128xi32, #tpu.memory_space<hbm>>
        %dma_start3A_34 = tpu.memref_squeeze %dma_start3A_33 : memref<1x40x128xi32, #tpu.memory_space<hbm>> -> memref<40x128xi32, #tpu.memory_space<hbm>>
        %dma_start3A_35 = arith.constant 0 : i32
        %dma_start3A_36 = tpu.memref_slice %arg4[%add3A, %mul3A_19, %dma_start3A_35] : memref<32x80x128xi32, #tpu.memory_space<hbm>> -> memref<1x40x128xi32, #tpu.memory_space<hbm>>
        %dma_start3A_37 = tpu.memref_squeeze %dma_start3A_36 : memref<1x40x128xi32, #tpu.memory_space<hbm>> -> memref<40x128xi32, #tpu.memory_space<hbm>>
        tpu.enqueue_dma source(%dma_start3A_37 : memref<40x128xi32, #tpu.memory_space<hbm>>) target(%arg8 : memref<40x128xi32, #tpu.memory_space<vmem>>) target_semaphore(%run_scoped3A : memref<!tpu.dma_semaphore, #tpu.memory_space<semaphore_mem>>)
        %dma_wait3A = arith.constant 0 : i32
        %dma_wait3A_38 = tpu.memref_slice %arg4[%add3A, %mul3A_19, %dma_wait3A] : memref<32x80x128xi32, #tpu.memory_space<hbm>> -> memref<1x40x128xi32, #tpu.memory_space<hbm>>
        %dma_wait3A_39 = tpu.memref_squeeze %dma_wait3A_38 : memref<1x40x128xi32, #tpu.memory_space<hbm>> -> memref<40x128xi32, #tpu.memory_space<hbm>>
        %dma_wait3A_40 = arith.constant 0 : i32
        %dma_wait3A_41 = tpu.memref_slice %arg4[%add3A, %mul3A_19, %dma_wait3A_40] : memref<32x80x128xi32, #tpu.memory_space<hbm>> -> memref<1x40x128xi32, #tpu.memory_space<hbm>>
        %dma_wait3A_42 = tpu.memref_squeeze %dma_wait3A_41 : memref<1x40x128xi32, #tpu.memory_space<hbm>> -> memref<40x128xi32, #tpu.memory_space<hbm>>
        tpu.wait_dma2 semaphore(%run_scoped3A : memref<!tpu.dma_semaphore, #tpu.memory_space<semaphore_mem>>) src(%dma_wait3A_42 : memref<40x128xi32, #tpu.memory_space<hbm>>) dst(%arg8 : memref<40x128xi32, #tpu.memory_space<vmem>>)
        tpu.yield
      }) : () -> ()
      %dma_start3A = arith.constant 0 : i32
      %dma_start3A_20 = arith.constant 0 : i32
      %dma_start3A_21 = tpu.memref_slice %arg7[%dma_start3A, %dma_start3A_20] : memref<40x128xi32, #tpu.memory_space<vmem>> -> memref<1x128xi32, #tpu.memory_space<vmem>>
      %dma_start3A_22 = tpu.memref_squeeze %dma_start3A_21 : memref<1x128xi32, #tpu.memory_space<vmem>> -> memref<128xi32, #tpu.memory_space<vmem>>
      %dma_start3A_23 = arith.constant 0 : i32
      %dma_start3A_24 = arith.constant 0 : i32
      %dma_start3A_25 = tpu.memref_slice %arg2[%dma_start3A_23, %dma_start3A_24] : memref<10240x128xf32, #tpu.memory_space<hbm>> -> memref<10240x128xf32, #tpu.memory_space<hbm>>
      tpu.enqueue_indirect_dma source(%dma_start3A_25 : memref<10240x128xf32, #tpu.memory_space<hbm>>) target(%arg9 : memref<128x128xf32, #tpu.memory_space<vmem>>) offsets(%dma_start3A_22 : memref<128xi32, #tpu.memory_space<vmem>>) semaphore(%arg12 : memref<!tpu.dma_semaphore, #tpu.memory_space<semaphore_mem>>)
      %scan3A_26 = arith.constant 0 : i32
      %scan3A_27 = arith.constant 0 : i32
      %scan3A_28 = arith.constant 20 : i32
      %scan3A_29 = arith.addi %scan3A_27, %scan3A_28 : i32
      %scan3A_30 = arith.constant 1 : i32
      scf.for %scan3A_32 = %scan3A_27 to %scan3A_29 step %scan3A_30  : i32 {
        %mul3A_33 = arith.constant 2 : i32
        %mul3A_34 = arith.muli %scan3A_32, %mul3A_33 : i32
        %add3A_35 = arith.constant 1 : i32
        %add3A_36 = arith.addi %mul3A_34, %add3A_35 : i32
        %dma_start3A_37 = arith.constant 0 : i32
        %dma_start3A_38 = tpu.memref_slice %arg7[%add3A_36, %dma_start3A_37] : memref<40x128xi32, #tpu.memory_space<vmem>> -> memref<1x128xi32, #tpu.memory_space<vmem>>
        %dma_start3A_39 = tpu.memref_squeeze %dma_start3A_38 : memref<1x128xi32, #tpu.memory_space<vmem>> -> memref<128xi32, #tpu.memory_space<vmem>>
        %dma_start3A_40 = arith.constant 0 : i32
        %dma_start3A_41 = arith.constant 0 : i32
        %dma_start3A_42 = tpu.memref_slice %arg2[%dma_start3A_40, %dma_start3A_41] : memref<10240x128xf32, #tpu.memory_space<hbm>> -> memref<10240x128xf32, #tpu.memory_space<hbm>>
        tpu.enqueue_indirect_dma source(%dma_start3A_42 : memref<10240x128xf32, #tpu.memory_space<hbm>>) target(%arg10 : memref<128x128xf32, #tpu.memory_space<vmem>>) offsets(%dma_start3A_39 : memref<128xi32, #tpu.memory_space<vmem>>) semaphore(%arg13 : memref<!tpu.dma_semaphore, #tpu.memory_space<semaphore_mem>>)
        %dma_wait3A = arith.constant 0 : i32
        %dma_wait3A_43 = tpu.memref_slice %arg7[%mul3A_34, %dma_wait3A] : memref<40x128xi32, #tpu.memory_space<vmem>> -> memref<1x128xi32, #tpu.memory_space<vmem>>
        %dma_wait3A_44 = tpu.memref_squeeze %dma_wait3A_43 : memref<1x128xi32, #tpu.memory_space<vmem>> -> memref<128xi32, #tpu.memory_space<vmem>>
        %dma_wait3A_45 = arith.constant 0 : i32
        %dma_wait3A_46 = arith.constant 0 : i32
        %dma_wait3A_47 = tpu.memref_slice %arg2[%dma_wait3A_45, %dma_wait3A_46] : memref<10240x128xf32, #tpu.memory_space<hbm>> -> memref<10240x128xf32, #tpu.memory_space<hbm>>
        tpu.wait_indirect_dma semaphore(%arg12 : memref<!tpu.dma_semaphore, #tpu.memory_space<semaphore_mem>>) src(%dma_wait3A_47 : memref<10240x128xf32, #tpu.memory_space<hbm>>) dst(%arg9 : memref<128x128xf32, #tpu.memory_space<vmem>>)
        "tpu.region"() ({
          %run_scoped3A = tpu.sem_alloc : memref<!tpu.dma_semaphore, #tpu.memory_space<semaphore_mem>>
          %dma_start3A_62 = arith.constant 0 : i32
          %dma_start3A_63 = tpu.memref_slice %arg8[%mul3A_34, %dma_start3A_62] : memref<40x128xi32, #tpu.memory_space<vmem>> -> memref<1x128xi32, #tpu.memory_space<vmem>>
          %dma_start3A_64 = tpu.memref_squeeze %dma_start3A_63 : memref<1x128xi32, #tpu.memory_space<vmem>> -> memref<128xi32, #tpu.memory_space<vmem>>
          %dma_start3A_65 = arith.constant 0 : i32
          %dma_start3A_66 = arith.constant 0 : i32
          %dma_start3A_67 = tpu.memref_slice %arg11[%dma_start3A_65, %dma_start3A_66] : memref<10240x128xf32, #tpu.memory_space<vmem_shared>> -> memref<10240x128xf32, #tpu.memory_space<vmem_shared>>
          tpu.enqueue_indirect_dma source(%arg9 : memref<128x128xf32, #tpu.memory_space<vmem>>) target(%dma_start3A_67 : memref<10240x128xf32, #tpu.memory_space<vmem_shared>>) offsets(%dma_start3A_64 : memref<128xi32, #tpu.memory_space<vmem>>) semaphore(%run_scoped3A : memref<!tpu.dma_semaphore, #tpu.memory_space<semaphore_mem>>) {add = true}
          %dma_wait3A_68 = arith.constant 0 : i32
          %dma_wait3A_69 = tpu.memref_slice %arg8[%mul3A_34, %dma_wait3A_68] : memref<40x128xi32, #tpu.memory_space<vmem>> -> memref<1x128xi32, #tpu.memory_space<vmem>>
          %dma_wait3A_70 = tpu.memref_squeeze %dma_wait3A_69 : memref<1x128xi32, #tpu.memory_space<vmem>> -> memref<128xi32, #tpu.memory_space<vmem>>
          %dma_wait3A_71 = arith.constant 0 : i32
          %dma_wait3A_72 = arith.constant 0 : i32
          %dma_wait3A_73 = tpu.memref_slice %arg11[%dma_wait3A_71, %dma_wait3A_72] : memref<10240x128xf32, #tpu.memory_space<vmem_shared>> -> memref<10240x128xf32, #tpu.memory_space<vmem_shared>>
          tpu.wait_indirect_dma semaphore(%run_scoped3A : memref<!tpu.dma_semaphore, #tpu.memory_space<semaphore_mem>>) src(%arg9 : memref<128x128xf32, #tpu.memory_space<vmem>>) dst(%dma_wait3A_73 : memref<10240x128xf32, #tpu.memory_space<vmem_shared>>)
          tpu.yield
        }) : () -> ()
        %add3A_48 = arith.constant 2 : i32
        %add3A_49 = arith.addi %mul3A_34, %add3A_48 : i32
        %lt3A = arith.constant 40 : i32
        %lt3A_50 = arith.cmpi slt, %add3A_49, %lt3A : i32
        %convert_element_type3A = arith.extui %lt3A_50 : i1 to i32
        %cond3A = arith.constant 0 : i32
        %cond3A_51 = arith.cmpi ne, %convert_element_type3A, %cond3A : i32
        scf.if %cond3A_51 {
          %add3A_62 = arith.constant 2 : i32
          %add3A_63 = arith.addi %mul3A_34, %add3A_62 : i32
          %dma_start3A_64 = arith.constant 0 : i32
          %dma_start3A_65 = tpu.memref_slice %arg7[%add3A_63, %dma_start3A_64] : memref<40x128xi32, #tpu.memory_space<vmem>> -> memref<1x128xi32, #tpu.memory_space<vmem>>
          %dma_start3A_66 = tpu.memref_squeeze %dma_start3A_65 : memref<1x128xi32, #tpu.memory_space<vmem>> -> memref<128xi32, #tpu.memory_space<vmem>>
          %dma_start3A_67 = arith.constant 0 : i32
          %dma_start3A_68 = arith.constant 0 : i32
          %dma_start3A_69 = tpu.memref_slice %arg2[%dma_start3A_67, %dma_start3A_68] : memref<10240x128xf32, #tpu.memory_space<hbm>> -> memref<10240x128xf32, #tpu.memory_space<hbm>>
          tpu.enqueue_indirect_dma source(%dma_start3A_69 : memref<10240x128xf32, #tpu.memory_space<hbm>>) target(%arg9 : memref<128x128xf32, #tpu.memory_space<vmem>>) offsets(%dma_start3A_66 : memref<128xi32, #tpu.memory_space<vmem>>) semaphore(%arg12 : memref<!tpu.dma_semaphore, #tpu.memory_space<semaphore_mem>>)
        } else {
        }
        %add3A_52 = arith.constant 1 : i32
        %add3A_53 = arith.addi %mul3A_34, %add3A_52 : i32
        %dma_wait3A_54 = arith.constant 0 : i32
        %dma_wait3A_55 = tpu.memref_slice %arg7[%add3A_53, %dma_wait3A_54] : memref<40x128xi32, #tpu.memory_space<vmem>> -> memref<1x128xi32, #tpu.memory_space<vmem>>
        %dma_wait3A_56 = tpu.memref_squeeze %dma_wait3A_55 : memref<1x128xi32, #tpu.memory_space<vmem>> -> memref<128xi32, #tpu.memory_space<vmem>>
        %dma_wait3A_57 = arith.constant 0 : i32
        %dma_wait3A_58 = arith.constant 0 : i32
        %dma_wait3A_59 = tpu.memref_slice %arg2[%dma_wait3A_57, %dma_wait3A_58] : memref<10240x128xf32, #tpu.memory_space<hbm>> -> memref<10240x128xf32, #tpu.memory_space<hbm>>
        tpu.wait_indirect_dma semaphore(%arg13 : memref<!tpu.dma_semaphore, #tpu.memory_space<semaphore_mem>>) src(%dma_wait3A_59 : memref<10240x128xf32, #tpu.memory_space<hbm>>) dst(%arg10 : memref<128x128xf32, #tpu.memory_space<vmem>>)
        %add3A_60 = arith.constant 1 : i32
        %add3A_61 = arith.addi %mul3A_34, %add3A_60 : i32
        "tpu.region"() ({
          %run_scoped3A = tpu.sem_alloc : memref<!tpu.dma_semaphore, #tpu.memory_space<semaphore_mem>>
          %dma_start3A_62 = arith.constant 0 : i32
          %dma_start3A_63 = tpu.memref_slice %arg8[%add3A_61, %dma_start3A_62] : memref<40x128xi32, #tpu.memory_space<vmem>> -> memref<1x128xi32, #tpu.memory_space<vmem>>
          %dma_start3A_64 = tpu.memref_squeeze %dma_start3A_63 : memref<1x128xi32, #tpu.memory_space<vmem>> -> memref<128xi32, #tpu.memory_space<vmem>>
          %dma_start3A_65 = arith.constant 0 : i32
          %dma_start3A_66 = arith.constant 0 : i32
          %dma_start3A_67 = tpu.memref_slice %arg11[%dma_start3A_65, %dma_start3A_66] : memref<10240x128xf32, #tpu.memory_space<vmem_shared>> -> memref<10240x128xf32, #tpu.memory_space<vmem_shared>>
          tpu.enqueue_indirect_dma source(%arg10 : memref<128x128xf32, #tpu.memory_space<vmem>>) target(%dma_start3A_67 : memref<10240x128xf32, #tpu.memory_space<vmem_shared>>) offsets(%dma_start3A_64 : memref<128xi32, #tpu.memory_space<vmem>>) semaphore(%run_scoped3A : memref<!tpu.dma_semaphore, #tpu.memory_space<semaphore_mem>>) {add = true}
          %dma_wait3A_68 = arith.constant 0 : i32
          %dma_wait3A_69 = tpu.memref_slice %arg8[%add3A_61, %dma_wait3A_68] : memref<40x128xi32, #tpu.memory_space<vmem>> -> memref<1x128xi32, #tpu.memory_space<vmem>>
          %dma_wait3A_70 = tpu.memref_squeeze %dma_wait3A_69 : memref<1x128xi32, #tpu.memory_space<vmem>> -> memref<128xi32, #tpu.memory_space<vmem>>
          %dma_wait3A_71 = arith.constant 0 : i32
          %dma_wait3A_72 = arith.constant 0 : i32
          %dma_wait3A_73 = tpu.memref_slice %arg11[%dma_wait3A_71, %dma_wait3A_72] : memref<10240x128xf32, #tpu.memory_space<vmem_shared>> -> memref<10240x128xf32, #tpu.memory_space<vmem_shared>>
          tpu.wait_indirect_dma semaphore(%run_scoped3A : memref<!tpu.dma_semaphore, #tpu.memory_space<semaphore_mem>>) src(%arg10 : memref<128x128xf32, #tpu.memory_space<vmem>>) dst(%dma_wait3A_73 : memref<10240x128xf32, #tpu.memory_space<vmem_shared>>)
          tpu.yield
        }) : () -> ()
      }
      %scan3A_31 = arith.constant 20 : i32
    }
    %scan3A_9 = arith.constant 2 : i32
    %barrier3A_10 = arith.constant 0 : index
    tpu.barrier barrier_id(%barrier3A_10)
    %mul3A_11 = arith.constant 640 : i32
    %mul3A_12 = arith.muli %arg1, %mul3A_11 : i32
    %mul3A_13 = arith.constant 640 : i32
    %mul3A_14 = arith.muli %arg1, %mul3A_13 : i32
    "tpu.region"() ({
      %run_scoped3A = tpu.sem_alloc : memref<!tpu.dma_semaphore, #tpu.memory_space<semaphore_mem>>
      %dma_start3A = arith.constant 0 : i32
      %dma_start3A_15 = tpu.memref_slice %arg6[%arg0, %mul3A_14, %dma_start3A] : memref<2x10240x128xf32, #tpu.memory_space<hbm>> -> memref<1x640x128xf32, #tpu.memory_space<hbm>>
      %dma_start3A_16 = tpu.memref_squeeze %dma_start3A_15 : memref<1x640x128xf32, #tpu.memory_space<hbm>> -> memref<640x128xf32, #tpu.memory_space<hbm>>
      %dma_start3A_17 = arith.constant 0 : i32
      %dma_start3A_18 = tpu.memref_slice %arg11[%mul3A_12, %dma_start3A_17] : memref<10240x128xf32, #tpu.memory_space<vmem_shared>> -> memref<640x128xf32, #tpu.memory_space<vmem_shared>>
      tpu.enqueue_dma source(%dma_start3A_18 : memref<640x128xf32, #tpu.memory_space<vmem_shared>>) target(%dma_start3A_16 : memref<640x128xf32, #tpu.memory_space<hbm>>) target_semaphore(%run_scoped3A : memref<!tpu.dma_semaphore, #tpu.memory_space<semaphore_mem>>)
      %dma_wait3A = arith.constant 0 : i32
      %dma_wait3A_19 = tpu.memref_slice %arg6[%arg0, %mul3A_14, %dma_wait3A] : memref<2x10240x128xf32, #tpu.memory_space<hbm>> -> memref<1x640x128xf32, #tpu.memory_space<hbm>>
      %dma_wait3A_20 = tpu.memref_squeeze %dma_wait3A_19 : memref<1x640x128xf32, #tpu.memory_space<hbm>> -> memref<640x128xf32, #tpu.memory_space<hbm>>
      %dma_wait3A_21 = arith.constant 0 : i32
      %dma_wait3A_22 = tpu.memref_slice %arg11[%mul3A_12, %dma_wait3A_21] : memref<10240x128xf32, #tpu.memory_space<vmem_shared>> -> memref<640x128xf32, #tpu.memory_space<vmem_shared>>
      tpu.wait_dma2 semaphore(%run_scoped3A : memref<!tpu.dma_semaphore, #tpu.memory_space<semaphore_mem>>) src(%dma_wait3A_22 : memref<640x128xf32, #tpu.memory_space<vmem_shared>>) dst(%dma_wait3A_20 : memref<640x128xf32, #tpu.memory_space<hbm>>)
      tpu.yield
    }) : () -> ()
    return
  }
}

#map = affine_map<(d0, d1) -> (0, 0)>
#map1 = affine_map<(d0, d1) -> (0, 0, 0)>
module attributes {stable_mosaic.version = 14 : i64} {
  func.func @k(%arg0: i32, %arg1: i32, %arg2: memref<10240x128xf32, #tpu.memory_space<hbm>>, %arg3: memref<32x80x128xi32, #tpu.memory_space<hbm>>, %arg4: memref<32x80x128xi32, #tpu.memory_space<hbm>>, %arg5: memref<10240x128xf32, #tpu.memory_space<hbm>>, %arg6: memref<2x10240x128xf32, #tpu.memory_space<hbm>>, %arg7: memref<40x128xi32, #tpu.memory_space<vmem>>, %arg8: memref<40x128xi32, #tpu.memory_space<vmem>>, %arg9: memref<128x128xf32, #tpu.memory_space<vmem>>, %arg10: memref<128x128xf32, #tpu.memory_space<vmem>>, %arg11: memref<10240x128xf32, #tpu.memory_space<vmem_shared>>, %arg12: memref<!tpu.dma_semaphore, #tpu.memory_space<semaphore_mem>>, %arg13: memref<!tpu.dma_semaphore, #tpu.memory_space<semaphore_mem>>) attributes {dimension_semantics = [#tpu.dimension_semantics<core_parallel>, #tpu.dimension_semantics<subcore_parallel>], iteration_bounds = array<i64: 2, 16>, scalar_prefetch = 0 : i64, scratch_operands = 7 : i64, tpu.core_type = #tpu.core_type<sc_vector_subcore>, window_params = [{transform_indices = #map}, {transform_indices = #map1}, {transform_indices = #map1}, {transform_indices = #map}, {transform_indices = #map1}]} {
    %mul3A = arith.constant 16 : i32
    %mul3A_0 = arith.muli %arg0, %mul3A : i32
    %add3A = arith.addi %mul3A_0, %arg1 : i32
    %mul3A_1 = arith.constant 640 : i32
    %mul3A_2 = arith.muli %arg1, %mul3A_1 : i32
    %mul3A_3 = arith.constant 640 : i32
    %mul3A_4 = arith.muli %arg1, %mul3A_3 : i32
    "tpu.region"() ({
      %run_scoped3A = tpu.sem_alloc : memref<!tpu.dma_semaphore, #tpu.memory_space<semaphore_mem>>
      %dma_start3A = arith.constant 0 : i32
      %dma_start3A_15 = tpu.memref_slice %arg11[%mul3A_4, %dma_start3A] : memref<10240x128xf32, #tpu.memory_space<vmem_shared>> -> memref<640x128xf32, #tpu.memory_space<vmem_shared>>
      %dma_start3A_16 = arith.constant 0 : i32
      %dma_start3A_17 = tpu.memref_slice %arg5[%mul3A_2, %dma_start3A_16] : memref<10240x128xf32, #tpu.memory_space<hbm>> -> memref<640x128xf32, #tpu.memory_space<hbm>>
      tpu.enqueue_dma source(%dma_start3A_17 : memref<640x128xf32, #tpu.memory_space<hbm>>) target(%dma_start3A_15 : memref<640x128xf32, #tpu.memory_space<vmem_shared>>) target_semaphore(%run_scoped3A : memref<!tpu.dma_semaphore, #tpu.memory_space<semaphore_mem>>)
      %dma_wait3A = arith.constant 0 : i32
      %dma_wait3A_18 = tpu.memref_slice %arg11[%mul3A_4, %dma_wait3A] : memref<10240x128xf32, #tpu.memory_space<vmem_shared>> -> memref<640x128xf32, #tpu.memory_space<vmem_shared>>
      %dma_wait3A_19 = arith.constant 0 : i32
      %dma_wait3A_20 = tpu.memref_slice %arg5[%mul3A_2, %dma_wait3A_19] : memref<10240x128xf32, #tpu.memory_space<hbm>> -> memref<640x128xf32, #tpu.memory_space<hbm>>
      tpu.wait_dma2 semaphore(%run_scoped3A : memref<!tpu.dma_semaphore, #tpu.memory_space<semaphore_mem>>) src(%dma_wait3A_20 : memref<640x128xf32, #tpu.memory_space<hbm>>) dst(%dma_wait3A_18 : memref<640x128xf32, #tpu.memory_space<vmem_shared>>)
      tpu.yield
    }) : () -> ()
    %barrier3A = arith.constant 0 : index
    tpu.barrier barrier_id(%barrier3A)
    %scan3A = arith.constant 0 : i32
    %scan3A_5 = arith.constant 0 : i32
    %scan3A_6 = arith.constant 2 : i32
    %scan3A_7 = arith.addi %scan3A_5, %scan3A_6 : i32
    %scan3A_8 = arith.constant 1 : i32
    scf.for %scan3A_15 = %scan3A_5 to %scan3A_7 step %scan3A_8  : i32 {
      %mul3A_16 = arith.constant 40 : i32
      %mul3A_17 = arith.muli %scan3A_15, %mul3A_16 : i32
      "tpu.region"() ({
        %run_scoped3A = tpu.sem_alloc : memref<!tpu.dma_semaphore, #tpu.memory_space<semaphore_mem>>
        %dma_start3A_32 = arith.constant 0 : i32
        %dma_start3A_33 = tpu.memref_slice %arg3[%add3A, %mul3A_17, %dma_start3A_32] : memref<32x80x128xi32, #tpu.memory_space<hbm>> -> memref<1x40x128xi32, #tpu.memory_space<hbm>>
        %dma_start3A_34 = tpu.memref_squeeze %dma_start3A_33 : memref<1x40x128xi32, #tpu.memory_space<hbm>> -> memref<40x128xi32, #tpu.memory_space<hbm>>
        %dma_start3A_35 = arith.constant 0 : i32
        %dma_start3A_36 = tpu.memref_slice %arg3[%add3A, %mul3A_17, %dma_start3A_35] : memref<32x80x128xi32, #tpu.memory_space<hbm>> -> memref<1x40x128xi32, #tpu.memory_space<hbm>>
        %dma_start3A_37 = tpu.memref_squeeze %dma_start3A_36 : memref<1x40x128xi32, #tpu.memory_space<hbm>> -> memref<40x128xi32, #tpu.memory_space<hbm>>
        tpu.enqueue_dma source(%dma_start3A_37 : memref<40x128xi32, #tpu.memory_space<hbm>>) target(%arg7 : memref<40x128xi32, #tpu.memory_space<vmem>>) target_semaphore(%run_scoped3A : memref<!tpu.dma_semaphore, #tpu.memory_space<semaphore_mem>>)
        %dma_wait3A = arith.constant 0 : i32
        %dma_wait3A_38 = tpu.memref_slice %arg3[%add3A, %mul3A_17, %dma_wait3A] : memref<32x80x128xi32, #tpu.memory_space<hbm>> -> memref<1x40x128xi32, #tpu.memory_space<hbm>>
        %dma_wait3A_39 = tpu.memref_squeeze %dma_wait3A_38 : memref<1x40x128xi32, #tpu.memory_space<hbm>> -> memref<40x128xi32, #tpu.memory_space<hbm>>
        %dma_wait3A_40 = arith.constant 0 : i32
        %dma_wait3A_41 = tpu.memref_slice %arg3[%add3A, %mul3A_17, %dma_wait3A_40] : memref<32x80x128xi32, #tpu.memory_space<hbm>> -> memref<1x40x128xi32, #tpu.memory_space<hbm>>
        %dma_wait3A_42 = tpu.memref_squeeze %dma_wait3A_41 : memref<1x40x128xi32, #tpu.memory_space<hbm>> -> memref<40x128xi32, #tpu.memory_space<hbm>>
        tpu.wait_dma2 semaphore(%run_scoped3A : memref<!tpu.dma_semaphore, #tpu.memory_space<semaphore_mem>>) src(%dma_wait3A_42 : memref<40x128xi32, #tpu.memory_space<hbm>>) dst(%arg7 : memref<40x128xi32, #tpu.memory_space<vmem>>)
        tpu.yield
      }) : () -> ()
      %mul3A_18 = arith.constant 40 : i32
      %mul3A_19 = arith.muli %scan3A_15, %mul3A_18 : i32
      "tpu.region"() ({
        %run_scoped3A = tpu.sem_alloc : memref<!tpu.dma_semaphore, #tpu.memory_space<semaphore_mem>>
        %dma_start3A_32 = arith.constant 0 : i32
        %dma_start3A_33 = tpu.memref_slice %arg4[%add3A, %mul3A_19, %dma_start3A_32] : memref<32x80x128xi32, #tpu.memory_space<hbm>> -> memref<1x40x128xi32, #tpu.memory_space<hbm>>
        %dma_start3A_34 = tpu.memref_squeeze %dma_start3A_33 : memref<1x40x128xi32, #tpu.memory_space<hbm>> -> memref<40x128xi32, #tpu.memory_space<hbm>>
        %dma_start3A_35 = arith.constant 0 : i32
        %dma_start3A_36 = tpu.memref_slice %arg4[%add3A, %mul3A_19, %dma_start3A_35] : memref<32x80x128xi32, #tpu.memory_space<hbm>> -> memref<1x40x128xi32, #tpu.memory_space<hbm>>
        %dma_start3A_37 = tpu.memref_squeeze %dma_start3A_36 : memref<1x40x128xi32, #tpu.memory_space<hbm>> -> memref<40x128xi32, #tpu.memory_space<hbm>>
        tpu.enqueue_dma source(%dma_start3A_37 : memref<40x128xi32, #tpu.memory_space<hbm>>) target(%arg8 : memref<40x128xi32, #tpu.memory_space<vmem>>) target_semaphore(%run_scoped3A : memref<!tpu.dma_semaphore, #tpu.memory_space<semaphore_mem>>)
        %dma_wait3A = arith.constant 0 : i32
        %dma_wait3A_38 = tpu.memref_slice %arg4[%add3A, %mul3A_19, %dma_wait3A] : memref<32x80x128xi32, #tpu.memory_space<hbm>> -> memref<1x40x128xi32, #tpu.memory_space<hbm>>
        %dma_wait3A_39 = tpu.memref_squeeze %dma_wait3A_38 : memref<1x40x128xi32, #tpu.memory_space<hbm>> -> memref<40x128xi32, #tpu.memory_space<hbm>>
        %dma_wait3A_40 = arith.constant 0 : i32
        %dma_wait3A_41 = tpu.memref_slice %arg4[%add3A, %mul3A_19, %dma_wait3A_40] : memref<32x80x128xi32, #tpu.memory_space<hbm>> -> memref<1x40x128xi32, #tpu.memory_space<hbm>>
        %dma_wait3A_42 = tpu.memref_squeeze %dma_wait3A_41 : memref<1x40x128xi32, #tpu.memory_space<hbm>> -> memref<40x128xi32, #tpu.memory_space<hbm>>
        tpu.wait_dma2 semaphore(%run_scoped3A : memref<!tpu.dma_semaphore, #tpu.memory_space<semaphore_mem>>) src(%dma_wait3A_42 : memref<40x128xi32, #tpu.memory_space<hbm>>) dst(%arg8 : memref<40x128xi32, #tpu.memory_space<vmem>>)
        tpu.yield
      }) : () -> ()
      %dma_start3A = arith.constant 0 : i32
      %dma_start3A_20 = arith.constant 0 : i32
      %dma_start3A_21 = tpu.memref_slice %arg7[%dma_start3A, %dma_start3A_20] : memref<40x128xi32, #tpu.memory_space<vmem>> -> memref<1x128xi32, #tpu.memory_space<vmem>>
      %dma_start3A_22 = tpu.memref_squeeze %dma_start3A_21 : memref<1x128xi32, #tpu.memory_space<vmem>> -> memref<128xi32, #tpu.memory_space<vmem>>
      %dma_start3A_23 = arith.constant 0 : i32
      %dma_start3A_24 = arith.constant 0 : i32
      %dma_start3A_25 = tpu.memref_slice %arg2[%dma_start3A_23, %dma_start3A_24] : memref<10240x128xf32, #tpu.memory_space<hbm>> -> memref<10240x128xf32, #tpu.memory_space<hbm>>
      tpu.enqueue_indirect_dma source(%dma_start3A_25 : memref<10240x128xf32, #tpu.memory_space<hbm>>) target(%arg9 : memref<128x128xf32, #tpu.memory_space<vmem>>) offsets(%dma_start3A_22 : memref<128xi32, #tpu.memory_space<vmem>>) semaphore(%arg12 : memref<!tpu.dma_semaphore, #tpu.memory_space<semaphore_mem>>)
      %scan3A_26 = arith.constant 0 : i32
      %scan3A_27 = arith.constant 0 : i32
      %scan3A_28 = arith.constant 20 : i32
      %scan3A_29 = arith.addi %scan3A_27, %scan3A_28 : i32
      %scan3A_30 = arith.constant 1 : i32
      scf.for %scan3A_32 = %scan3A_27 to %scan3A_29 step %scan3A_30  : i32 {
        %mul3A_33 = arith.constant 2 : i32
        %mul3A_34 = arith.muli %scan3A_32, %mul3A_33 : i32
        %add3A_35 = arith.constant 1 : i32
        %add3A_36 = arith.addi %mul3A_34, %add3A_35 : i32
        %dma_start3A_37 = arith.constant 0 : i32
        %dma_start3A_38 = tpu.memref_slice %arg7[%add3A_36, %dma_start3A_37] : memref<40x128xi32, #tpu.memory_space<vmem>> -> memref<1x128xi32, #tpu.memory_space<vmem>>
        %dma_start3A_39 = tpu.memref_squeeze %dma_start3A_38 : memref<1x128xi32, #tpu.memory_space<vmem>> -> memref<128xi32, #tpu.memory_space<vmem>>
        %dma_start3A_40 = arith.constant 0 : i32
        %dma_start3A_41 = arith.constant 0 : i32
        %dma_start3A_42 = tpu.memref_slice %arg2[%dma_start3A_40, %dma_start3A_41] : memref<10240x128xf32, #tpu.memory_space<hbm>> -> memref<10240x128xf32, #tpu.memory_space<hbm>>
        tpu.enqueue_indirect_dma source(%dma_start3A_42 : memref<10240x128xf32, #tpu.memory_space<hbm>>) target(%arg10 : memref<128x128xf32, #tpu.memory_space<vmem>>) offsets(%dma_start3A_39 : memref<128xi32, #tpu.memory_space<vmem>>) semaphore(%arg13 : memref<!tpu.dma_semaphore, #tpu.memory_space<semaphore_mem>>)
        %dma_wait3A = arith.constant 0 : i32
        %dma_wait3A_43 = tpu.memref_slice %arg7[%mul3A_34, %dma_wait3A] : memref<40x128xi32, #tpu.memory_space<vmem>> -> memref<1x128xi32, #tpu.memory_space<vmem>>
        %dma_wait3A_44 = tpu.memref_squeeze %dma_wait3A_43 : memref<1x128xi32, #tpu.memory_space<vmem>> -> memref<128xi32, #tpu.memory_space<vmem>>
        %dma_wait3A_45 = arith.constant 0 : i32
        %dma_wait3A_46 = arith.constant 0 : i32
        %dma_wait3A_47 = tpu.memref_slice %arg2[%dma_wait3A_45, %dma_wait3A_46] : memref<10240x128xf32, #tpu.memory_space<hbm>> -> memref<10240x128xf32, #tpu.memory_space<hbm>>
        tpu.wait_indirect_dma semaphore(%arg12 : memref<!tpu.dma_semaphore, #tpu.memory_space<semaphore_mem>>) src(%dma_wait3A_47 : memref<10240x128xf32, #tpu.memory_space<hbm>>) dst(%arg9 : memref<128x128xf32, #tpu.memory_space<vmem>>)
        "tpu.region"() ({
          %run_scoped3A = tpu.sem_alloc : memref<!tpu.dma_semaphore, #tpu.memory_space<semaphore_mem>>
          %dma_start3A_62 = arith.constant 0 : i32
          %dma_start3A_63 = tpu.memref_slice %arg8[%mul3A_34, %dma_start3A_62] : memref<40x128xi32, #tpu.memory_space<vmem>> -> memref<1x128xi32, #tpu.memory_space<vmem>>
          %dma_start3A_64 = tpu.memref_squeeze %dma_start3A_63 : memref<1x128xi32, #tpu.memory_space<vmem>> -> memref<128xi32, #tpu.memory_space<vmem>>
          %dma_start3A_65 = arith.constant 0 : i32
          %dma_start3A_66 = arith.constant 0 : i32
          %dma_start3A_67 = tpu.memref_slice %arg11[%dma_start3A_65, %dma_start3A_66] : memref<10240x128xf32, #tpu.memory_space<vmem_shared>> -> memref<10240x128xf32, #tpu.memory_space<vmem_shared>>
          tpu.enqueue_indirect_dma source(%arg9 : memref<128x128xf32, #tpu.memory_space<vmem>>) target(%dma_start3A_67 : memref<10240x128xf32, #tpu.memory_space<vmem_shared>>) offsets(%dma_start3A_64 : memref<128xi32, #tpu.memory_space<vmem>>) semaphore(%run_scoped3A : memref<!tpu.dma_semaphore, #tpu.memory_space<semaphore_mem>>) {add = true}
          %dma_wait3A_68 = arith.constant 0 : i32
          %dma_wait3A_69 = tpu.memref_slice %arg8[%mul3A_34, %dma_wait3A_68] : memref<40x128xi32, #tpu.memory_space<vmem>> -> memref<1x128xi32, #tpu.memory_space<vmem>>
          %dma_wait3A_70 = tpu.memref_squeeze %dma_wait3A_69 : memref<1x128xi32, #tpu.memory_space<vmem>> -> memref<128xi32, #tpu.memory_space<vmem>>
          %dma_wait3A_71 = arith.constant 0 : i32
          %dma_wait3A_72 = arith.constant 0 : i32
          %dma_wait3A_73 = tpu.memref_slice %arg11[%dma_wait3A_71, %dma_wait3A_72] : memref<10240x128xf32, #tpu.memory_space<vmem_shared>> -> memref<10240x128xf32, #tpu.memory_space<vmem_shared>>
          tpu.wait_indirect_dma semaphore(%run_scoped3A : memref<!tpu.dma_semaphore, #tpu.memory_space<semaphore_mem>>) src(%arg9 : memref<128x128xf32, #tpu.memory_space<vmem>>) dst(%dma_wait3A_73 : memref<10240x128xf32, #tpu.memory_space<vmem_shared>>)
          tpu.yield
        }) : () -> ()
        %add3A_48 = arith.constant 2 : i32
        %add3A_49 = arith.addi %mul3A_34, %add3A_48 : i32
        %lt3A = arith.constant 40 : i32
        %lt3A_50 = arith.cmpi slt, %add3A_49, %lt3A : i32
        %convert_element_type3A = arith.extui %lt3A_50 : i1 to i32
        %cond3A = arith.constant 0 : i32
        %cond3A_51 = arith.cmpi ne, %convert_element_type3A, %cond3A : i32
        scf.if %cond3A_51 {
          %add3A_62 = arith.constant 2 : i32
          %add3A_63 = arith.addi %mul3A_34, %add3A_62 : i32
          %dma_start3A_64 = arith.constant 0 : i32
          %dma_start3A_65 = tpu.memref_slice %arg7[%add3A_63, %dma_start3A_64] : memref<40x128xi32, #tpu.memory_space<vmem>> -> memref<1x128xi32, #tpu.memory_space<vmem>>
          %dma_start3A_66 = tpu.memref_squeeze %dma_start3A_65 : memref<1x128xi32, #tpu.memory_space<vmem>> -> memref<128xi32, #tpu.memory_space<vmem>>
          %dma_start3A_67 = arith.constant 0 : i32
          %dma_start3A_68 = arith.constant 0 : i32
          %dma_start3A_69 = tpu.memref_slice %arg2[%dma_start3A_67, %dma_start3A_68] : memref<10240x128xf32, #tpu.memory_space<hbm>> -> memref<10240x128xf32, #tpu.memory_space<hbm>>
          tpu.enqueue_indirect_dma source(%dma_start3A_69 : memref<10240x128xf32, #tpu.memory_space<hbm>>) target(%arg9 : memref<128x128xf32, #tpu.memory_space<vmem>>) offsets(%dma_start3A_66 : memref<128xi32, #tpu.memory_space<vmem>>) semaphore(%arg12 : memref<!tpu.dma_semaphore, #tpu.memory_space<semaphore_mem>>)
        } else {
        }
        %add3A_52 = arith.constant 1 : i32
        %add3A_53 = arith.addi %mul3A_34, %add3A_52 : i32
        %dma_wait3A_54 = arith.constant 0 : i32
        %dma_wait3A_55 = tpu.memref_slice %arg7[%add3A_53, %dma_wait3A_54] : memref<40x128xi32, #tpu.memory_space<vmem>> -> memref<1x128xi32, #tpu.memory_space<vmem>>
        %dma_wait3A_56 = tpu.memref_squeeze %dma_wait3A_55 : memref<1x128xi32, #tpu.memory_space<vmem>> -> memref<128xi32, #tpu.memory_space<vmem>>
        %dma_wait3A_57 = arith.constant 0 : i32
        %dma_wait3A_58 = arith.constant 0 : i32
        %dma_wait3A_59 = tpu.memref_slice %arg2[%dma_wait3A_57, %dma_wait3A_58] : memref<10240x128xf32, #tpu.memory_space<hbm>> -> memref<10240x128xf32, #tpu.memory_space<hbm>>
        tpu.wait_indirect_dma semaphore(%arg13 : memref<!tpu.dma_semaphore, #tpu.memory_space<semaphore_mem>>) src(%dma_wait3A_59 : memref<10240x128xf32, #tpu.memory_space<hbm>>) dst(%arg10 : memref<128x128xf32, #tpu.memory_space<vmem>>)
        %add3A_60 = arith.constant 1 : i32
        %add3A_61 = arith.addi %mul3A_34, %add3A_60 : i32
        "tpu.region"() ({
          %run_scoped3A = tpu.sem_alloc : memref<!tpu.dma_semaphore, #tpu.memory_space<semaphore_mem>>
          %dma_start3A_62 = arith.constant 0 : i32
          %dma_start3A_63 = tpu.memref_slice %arg8[%add3A_61, %dma_start3A_62] : memref<40x128xi32, #tpu.memory_space<vmem>> -> memref<1x128xi32, #tpu.memory_space<vmem>>
          %dma_start3A_64 = tpu.memref_squeeze %dma_start3A_63 : memref<1x128xi32, #tpu.memory_space<vmem>> -> memref<128xi32, #tpu.memory_space<vmem>>
          %dma_start3A_65 = arith.constant 0 : i32
          %dma_start3A_66 = arith.constant 0 : i32
          %dma_start3A_67 = tpu.memref_slice %arg11[%dma_start3A_65, %dma_start3A_66] : memref<10240x128xf32, #tpu.memory_space<vmem_shared>> -> memref<10240x128xf32, #tpu.memory_space<vmem_shared>>
          tpu.enqueue_indirect_dma source(%arg10 : memref<128x128xf32, #tpu.memory_space<vmem>>) target(%dma_start3A_67 : memref<10240x128xf32, #tpu.memory_space<vmem_shared>>) offsets(%dma_start3A_64 : memref<128xi32, #tpu.memory_space<vmem>>) semaphore(%run_scoped3A : memref<!tpu.dma_semaphore, #tpu.memory_space<semaphore_mem>>) {add = true}
          %dma_wait3A_68 = arith.constant 0 : i32
          %dma_wait3A_69 = tpu.memref_slice %arg8[%add3A_61, %dma_wait3A_68] : memref<40x128xi32, #tpu.memory_space<vmem>> -> memref<1x128xi32, #tpu.memory_space<vmem>>
          %dma_wait3A_70 = tpu.memref_squeeze %dma_wait3A_69 : memref<1x128xi32, #tpu.memory_space<vmem>> -> memref<128xi32, #tpu.memory_space<vmem>>
          %dma_wait3A_71 = arith.constant 0 : i32
          %dma_wait3A_72 = arith.constant 0 : i32
          %dma_wait3A_73 = tpu.memref_slice %arg11[%dma_wait3A_71, %dma_wait3A_72] : memref<10240x128xf32, #tpu.memory_space<vmem_shared>> -> memref<10240x128xf32, #tpu.memory_space<vmem_shared>>
          tpu.wait_indirect_dma semaphore(%run_scoped3A : memref<!tpu.dma_semaphore, #tpu.memory_space<semaphore_mem>>) src(%arg10 : memref<128x128xf32, #tpu.memory_space<vmem>>) dst(%dma_wait3A_73 : memref<10240x128xf32, #tpu.memory_space<vmem_shared>>)
          tpu.yield
        }) : () -> ()
      }
      %scan3A_31 = arith.constant 20 : i32
    }
    %scan3A_9 = arith.constant 2 : i32
    %barrier3A_10 = arith.constant 0 : index
    tpu.barrier barrier_id(%barrier3A_10)
    %mul3A_11 = arith.constant 640 : i32
    %mul3A_12 = arith.muli %arg1, %mul3A_11 : i32
    %mul3A_13 = arith.constant 640 : i32
    %mul3A_14 = arith.muli %arg1, %mul3A_13 : i32
    "tpu.region"() ({
      %run_scoped3A = tpu.sem_alloc : memref<!tpu.dma_semaphore, #tpu.memory_space<semaphore_mem>>
      %dma_start3A = arith.constant 0 : i32
      %dma_start3A_15 = tpu.memref_slice %arg6[%arg0, %mul3A_14, %dma_start3A] : memref<2x10240x128xf32, #tpu.memory_space<hbm>> -> memref<1x640x128xf32, #tpu.memory_space<hbm>>
      %dma_start3A_16 = tpu.memref_squeeze %dma_start3A_15 : memref<1x640x128xf32, #tpu.memory_space<hbm>> -> memref<640x128xf32, #tpu.memory_space<hbm>>
      %dma_start3A_17 = arith.constant 0 : i32
      %dma_start3A_18 = tpu.memref_slice %arg11[%mul3A_12, %dma_start3A_17] : memref<10240x128xf32, #tpu.memory_space<vmem_shared>> -> memref<640x128xf32, #tpu.memory_space<vmem_shared>>
      tpu.enqueue_dma source(%dma_start3A_18 : memref<640x128xf32, #tpu.memory_space<vmem_shared>>) target(%dma_start3A_16 : memref<640x128xf32, #tpu.memory_space<hbm>>) target_semaphore(%run_scoped3A : memref<!tpu.dma_semaphore, #tpu.memory_space<semaphore_mem>>)
      %dma_wait3A = arith.constant 0 : i32
      %dma_wait3A_19 = tpu.memref_slice %arg6[%arg0, %mul3A_14, %dma_wait3A] : memref<2x10240x128xf32, #tpu.memory_space<hbm>> -> memref<1x640x128xf32, #tpu.memory_space<hbm>>
      %dma_wait3A_20 = tpu.memref_squeeze %dma_wait3A_19 : memref<1x640x128xf32, #tpu.memory_space<hbm>> -> memref<640x128xf32, #tpu.memory_space<hbm>>
      %dma_wait3A_21 = arith.constant 0 : i32
      %dma_wait3A_22 = tpu.memref_slice %arg11[%mul3A_12, %dma_wait3A_21] : memref<10240x128xf32, #tpu.memory_space<vmem_shared>> -> memref<640x128xf32, #tpu.memory_space<vmem_shared>>
      tpu.wait_dma2 semaphore(%run_scoped3A : memref<!tpu.dma_semaphore, #tpu.memory_space<semaphore_mem>>) src(%dma_wait3A_22 : memref<640x128xf32, #tpu.memory_space<vmem_shared>>) dst(%dma_wait3A_20 : memref<640x128xf32, #tpu.memory_space<hbm>>)
      tpu.yield
    }) : () -> ()
    return
  }
}

module attributes {stable_mosaic.version = 14 : i64} {
  func.func @_tc_pre_body(%arg0: memref<10240x128xf32, #tpu.memory_space<vmem>>, %arg1: memref<128x128xf32, #tpu.memory_space<vmem>>, %arg2: memref<10240x2xf32, #tpu.memory_space<vmem>>, %arg3: memref<10240x128xf32, #tpu.memory_space<vmem>>, %arg4: memref<10240x1xf32, #tpu.memory_space<vmem>>) attributes {dimension_semantics = [], scalar_prefetch = 0 : i64, scratch_operands = 0 : i64, tpu.core_type = #tpu.core_type<tc>} {
    %get3A = arith.constant 0 : index
    %get3A_0 = arith.constant 0 : index
    %get3A_1 = vector.load %arg2[%get3A, %get3A_0] : memref<10240x2xf32, #tpu.memory_space<vmem>>, vector<10240x2xf32>
    %slice3A = vector.extract_strided_slice %get3A_1 {offsets = [0, 0], sizes = [10240, 1], strides = [1, 1]} : vector<10240x2xf32> to vector<10240x1xf32>
    %slice3A_2 = vector.extract_strided_slice %get3A_1 {offsets = [0, 1], sizes = [10240, 1], strides = [1, 1]} : vector<10240x2xf32> to vector<10240x1xf32>
    %add3A = arith.addf %slice3A, %slice3A_2 : vector<10240x1xf32>
    %add3A_3 = arith.constant 1.000000e+00 : f32
    %add3A_4 = vector.broadcast %add3A_3 : f32 to vector<10240x1xf32>
    %add3A_5 = arith.addf %add3A, %add3A_4 : vector<10240x1xf32>
    %rsqrt3A = math.rsqrt %add3A_5 : vector<10240x1xf32>
    %get3A_6 = arith.constant 0 : index
    %get3A_7 = arith.constant 0 : index
    %get3A_8 = vector.load %arg0[%get3A_6, %get3A_7] : memref<10240x128xf32, #tpu.memory_space<vmem>>, vector<10240x128xf32>
    %get3A_9 = arith.constant 0 : index
    %get3A_10 = arith.constant 0 : index
    %get3A_11 = vector.load %arg1[%get3A_9, %get3A_10] : memref<128x128xf32, #tpu.memory_space<vmem>>, vector<128x128xf32>
    %dot_general3A = arith.constant dense<0.000000e+00> : vector<10240x128xf32>
    %dot_general3A_12 = tpu.matmul %get3A_8, %get3A_11, %dot_general3A {dimension_numbers = #tpu.dot_dimension_numbers<[1], [0], [0], [1], [0, 0, 1, 1], [], []>, transpose_lhs_hint = false} : vector<10240x128xf32>, vector<128x128xf32>, vector<10240x128xf32> -> vector<10240x128xf32>
    %mul3A = vector.broadcast %rsqrt3A : vector<10240x1xf32> to vector<10240x128xf32>
    %mul3A_13 = arith.mulf %dot_general3A_12, %mul3A : vector<10240x128xf32>
    %swap3A = arith.constant 0 : index
    %swap3A_14 = arith.constant 0 : index
    %swap3A_15 = vector.load %arg3[%swap3A, %swap3A_14] : memref<10240x128xf32, #tpu.memory_space<vmem>>, vector<10240x128xf32>
    tpu.vector_store %arg3[%swap3A, %swap3A_14], %mul3A_13 {strides = array<i32>} : memref<10240x128xf32, #tpu.memory_space<vmem>>, vector<10240x128xf32>,
    %swap3A_16 = arith.constant 0 : index
    %swap3A_17 = arith.constant 0 : index
    %swap3A_18 = vector.load %arg4[%swap3A_16, %swap3A_17] : memref<10240x1xf32, #tpu.memory_space<vmem>>, vector<10240x1xf32>
    tpu.vector_store %arg4[%swap3A_16, %swap3A_17], %rsqrt3A {strides = array<i32>} : memref<10240x1xf32, #tpu.memory_space<vmem>>, vector<10240x1xf32>,
    return
  }
}

module attributes {stable_mosaic.version = 14 : i64} {
  func.func @_tc_mid_body(%arg0: memref<2x10240x128xf32, #tpu.memory_space<vmem>>, %arg1: memref<10240x128xf32, #tpu.memory_space<vmem>>, %arg2: memref<10240x1xf32, #tpu.memory_space<vmem>>, %arg3: memref<1x128xf32, #tpu.memory_space<vmem>>, %arg4: memref<128x128xf32, #tpu.memory_space<vmem>>, %arg5: memref<10240x128xf32, #tpu.memory_space<vmem>>) attributes {dimension_semantics = [], scalar_prefetch = 0 : i64, scratch_operands = 0 : i64, tpu.core_type = #tpu.core_type<tc>} {
    %get3A = arith.constant 0 : index
    %get3A_0 = arith.constant 0 : index
    %get3A_1 = arith.constant 0 : index
    %get3A_2 = vector.load %arg0[%get3A, %get3A_0, %get3A_1] : memref<2x10240x128xf32, #tpu.memory_space<vmem>>, vector<2x10240x128xf32>
    %slice3A = vector.extract_strided_slice %get3A_2 {offsets = [0, 0, 0], sizes = [1, 10240, 128], strides = [1, 1, 1]} : vector<2x10240x128xf32> to vector<1x10240x128xf32>
    %squeeze3A = vector.shape_cast %slice3A : vector<1x10240x128xf32> to vector<10240x128xf32>
    %slice3A_3 = vector.extract_strided_slice %get3A_2 {offsets = [1, 0, 0], sizes = [1, 10240, 128], strides = [1, 1, 1]} : vector<2x10240x128xf32> to vector<1x10240x128xf32>
    %squeeze3A_4 = vector.shape_cast %slice3A_3 : vector<1x10240x128xf32> to vector<10240x128xf32>
    %add3A = arith.addf %squeeze3A, %squeeze3A_4 : vector<10240x128xf32>
    %get3A_5 = arith.constant 0 : index
    %get3A_6 = arith.constant 0 : index
    %get3A_7 = vector.load %arg1[%get3A_5, %get3A_6] : memref<10240x128xf32, #tpu.memory_space<vmem>>, vector<10240x128xf32>
    %add3A_8 = arith.addf %add3A, %get3A_7 : vector<10240x128xf32>
    %get3A_9 = arith.constant 0 : index
    %get3A_10 = arith.constant 0 : index
    %get3A_11 = vector.load %arg2[%get3A_9, %get3A_10] : memref<10240x1xf32, #tpu.memory_space<vmem>>, vector<10240x1xf32>
    %mul3A = vector.broadcast %get3A_11 : vector<10240x1xf32> to vector<10240x128xf32>
    %mul3A_12 = arith.mulf %mul3A, %add3A_8 : vector<10240x128xf32>
    %get3A_13 = arith.constant 0 : index
    %get3A_14 = arith.constant 0 : index
    %get3A_15 = vector.load %arg3[%get3A_13, %get3A_14] : memref<1x128xf32, #tpu.memory_space<vmem>>, vector<1x128xf32>
    %add3A_16 = vector.broadcast %get3A_15 : vector<1x128xf32> to vector<10240x128xf32>
    %add3A_17 = arith.addf %mul3A_12, %add3A_16 : vector<10240x128xf32>
    %max3A = arith.constant 0.000000e+00 : f32
    %max3A_18 = vector.broadcast %max3A : f32 to vector<10240x128xf32>
    %max3A_19 = arith.maximumf %add3A_17, %max3A_18 : vector<10240x128xf32>
    %get3A_20 = arith.constant 0 : index
    %get3A_21 = arith.constant 0 : index
    %get3A_22 = vector.load %arg2[%get3A_20, %get3A_21] : memref<10240x1xf32, #tpu.memory_space<vmem>>, vector<10240x1xf32>
    %get3A_23 = arith.constant 0 : index
    %get3A_24 = arith.constant 0 : index
    %get3A_25 = vector.load %arg4[%get3A_23, %get3A_24] : memref<128x128xf32, #tpu.memory_space<vmem>>, vector<128x128xf32>
    %dot_general3A = arith.constant dense<0.000000e+00> : vector<10240x128xf32>
    %dot_general3A_26 = tpu.matmul %max3A_19, %get3A_25, %dot_general3A {dimension_numbers = #tpu.dot_dimension_numbers<[1], [0], [0], [1], [0, 0, 1, 1], [], []>, transpose_lhs_hint = false} : vector<10240x128xf32>, vector<128x128xf32>, vector<10240x128xf32> -> vector<10240x128xf32>
    %mul3A_27 = vector.broadcast %get3A_22 : vector<10240x1xf32> to vector<10240x128xf32>
    %mul3A_28 = arith.mulf %mul3A_27, %dot_general3A_26 : vector<10240x128xf32>
    %swap3A = arith.constant 0 : index
    %swap3A_29 = arith.constant 0 : index
    %swap3A_30 = vector.load %arg5[%swap3A, %swap3A_29] : memref<10240x128xf32, #tpu.memory_space<vmem>>, vector<10240x128xf32>
    tpu.vector_store %arg5[%swap3A, %swap3A_29], %mul3A_28 {strides = array<i32>} : memref<10240x128xf32, #tpu.memory_space<vmem>>, vector<10240x128xf32>,
    return
  }
}

module attributes {stable_mosaic.version = 14 : i64} {
  func.func @_tc_fin_body(%arg0: memref<2x10240x128xf32, #tpu.memory_space<vmem>>, %arg1: memref<10240x128xf32, #tpu.memory_space<vmem>>, %arg2: memref<10240x1xf32, #tpu.memory_space<vmem>>, %arg3: memref<1x128xf32, #tpu.memory_space<vmem>>, %arg4: memref<128x40xf32, #tpu.memory_space<vmem>>, %arg5: memref<1x40xf32, #tpu.memory_space<vmem>>, %arg6: memref<10240x40xf32, #tpu.memory_space<vmem>>) attributes {dimension_semantics = [], scalar_prefetch = 0 : i64, scratch_operands = 0 : i64, tpu.core_type = #tpu.core_type<tc>} {
    %get3A = arith.constant 0 : index
    %get3A_0 = arith.constant 0 : index
    %get3A_1 = arith.constant 0 : index
    %get3A_2 = vector.load %arg0[%get3A, %get3A_0, %get3A_1] : memref<2x10240x128xf32, #tpu.memory_space<vmem>>, vector<2x10240x128xf32>
    %slice3A = vector.extract_strided_slice %get3A_2 {offsets = [0, 0, 0], sizes = [1, 10240, 128], strides = [1, 1, 1]} : vector<2x10240x128xf32> to vector<1x10240x128xf32>
    %squeeze3A = vector.shape_cast %slice3A : vector<1x10240x128xf32> to vector<10240x128xf32>
    %slice3A_3 = vector.extract_strided_slice %get3A_2 {offsets = [1, 0, 0], sizes = [1, 10240, 128], strides = [1, 1, 1]} : vector<2x10240x128xf32> to vector<1x10240x128xf32>
    %squeeze3A_4 = vector.shape_cast %slice3A_3 : vector<1x10240x128xf32> to vector<10240x128xf32>
    %add3A = arith.addf %squeeze3A, %squeeze3A_4 : vector<10240x128xf32>
    %get3A_5 = arith.constant 0 : index
    %get3A_6 = arith.constant 0 : index
    %get3A_7 = vector.load %arg1[%get3A_5, %get3A_6] : memref<10240x128xf32, #tpu.memory_space<vmem>>, vector<10240x128xf32>
    %add3A_8 = arith.addf %add3A, %get3A_7 : vector<10240x128xf32>
    %get3A_9 = arith.constant 0 : index
    %get3A_10 = arith.constant 0 : index
    %get3A_11 = vector.load %arg2[%get3A_9, %get3A_10] : memref<10240x1xf32, #tpu.memory_space<vmem>>, vector<10240x1xf32>
    %mul3A = vector.broadcast %get3A_11 : vector<10240x1xf32> to vector<10240x128xf32>
    %mul3A_12 = arith.mulf %mul3A, %add3A_8 : vector<10240x128xf32>
    %get3A_13 = arith.constant 0 : index
    %get3A_14 = arith.constant 0 : index
    %get3A_15 = vector.load %arg3[%get3A_13, %get3A_14] : memref<1x128xf32, #tpu.memory_space<vmem>>, vector<1x128xf32>
    %add3A_16 = vector.broadcast %get3A_15 : vector<1x128xf32> to vector<10240x128xf32>
    %add3A_17 = arith.addf %mul3A_12, %add3A_16 : vector<10240x128xf32>
    %get3A_18 = arith.constant 0 : index
    %get3A_19 = arith.constant 0 : index
    %get3A_20 = vector.load %arg4[%get3A_18, %get3A_19] : memref<128x40xf32, #tpu.memory_space<vmem>>, vector<128x40xf32>
    %dot_general3A = arith.constant dense<0.000000e+00> : vector<10240x40xf32>
    %dot_general3A_21 = tpu.matmul %add3A_17, %get3A_20, %dot_general3A {dimension_numbers = #tpu.dot_dimension_numbers<[1], [0], [0], [1], [0, 0, 1, 1], [], []>, transpose_lhs_hint = false} : vector<10240x128xf32>, vector<128x40xf32>, vector<10240x40xf32> -> vector<10240x40xf32>
    %get3A_22 = arith.constant 0 : index
    %get3A_23 = arith.constant 0 : index
    %get3A_24 = vector.load %arg5[%get3A_22, %get3A_23] : memref<1x40xf32, #tpu.memory_space<vmem>>, vector<1x40xf32>
    %add3A_25 = vector.broadcast %get3A_24 : vector<1x40xf32> to vector<10240x40xf32>
    %add3A_26 = arith.addf %dot_general3A_21, %add3A_25 : vector<10240x40xf32>
    %swap3A = arith.constant 0 : index
    %swap3A_27 = arith.constant 0 : index
    %swap3A_28 = vector.load %arg6[%swap3A, %swap3A_27] : memref<10240x40xf32, #tpu.memory_space<vmem>>, vector<10240x40xf32>
    tpu.vector_store %arg6[%swap3A, %swap3A_27], %add3A_26 {strides = array<i32>} : memref<10240x40xf32, #tpu.memory_space<vmem>>, vector<10240x40xf32>,
    return
  }
}

</mosaic_0001>

<sc_bundles>
// kernel: kernel.10.cloned.1.call-start
scs
__scs_entry_jumppad:
0x0: {  	(pc) =	sbr.rel $0x88, $3  }
0x1: {  	(tag) =	ssettag $0x0;
	lr =	simm.s32 $0x1  }
0x2: {  	[smem:$0x3F97] =	sst lr;
	_ =	strace $0xD0000000  }
0x3: {  	_ = 	snop  }
0x4: {  	_ = 	snop  }
0x5: {  	_ = 	snop  }
0x6: {  	_ = 	snop  }
0x7: {  	_ = 	snop  }
__scs_overlays_trampoline_lowered:
0x8: {  	[smem:$0x3FA6] =	sst s0  }
0x9: {  	[smem:$0x3FA7] =	sst s1  }
0xa: {  	[smem:$0x3FA8] =	sst s2  }
0xb: {  	[smem:$0x3FA9] =	sst s3  }
0xc: {  	[smem:$0x3FAA] =	sst s4  }
0xd: {  	[smem:$0x3FAB] =	sst s5  }
0xe: {  	[smem:$0x3FAC] =	sst s6  }
0xf: {  	[smem:$0x3FAD] =	sst s7  }
0x10: {  	[smem:$0x3FAE] =	sst s8  }
0x11: {  	[smem:$0x3FAF] =	sst s9;
	s0 =	simm.s32 @!p0 $0x0  }
0x12: {  	s1 =	sld [smem:$0x3F95];
	s0 =	simm.s32 @p0 $0x1  }
0x13: {  	[smem:$0x3FB0] =	sst s0;
	s0 =	simm.s32 @!p1 $0x0  }
0x14: {  	s2 =	sld [smem:$0x3F94];
	s0 =	simm.s32 @p1 $0x1  }
0x15: {  	[smem:$0x3FB1] =	sst s0;
	s0 =	simm.s32 @!p2 $0x0  }
0x16: {  	s3 =	sld [smem:$0x3FDB];
	s0 =	simm.s32 @p2 $0x1  }
0x17: {  	s4 =	simm.s32 $0x1BF5;
	[smem:$0x3FB3] =	sst s0  }
0x18: {  	s0 =	sld [smem:$0x3F96];
	_ =	swait.ge [sflag:s4], $0x0  }
0x19: {  	s7 =	sld [smem:$0x3F97]  }
0x1a: {  	s8 =	sadd.s32 $0xFFFFE003, lr  }
0x1b: {  	s9 =	sadd.s32 $0xFFFFFEF7, lr;
	s5 =	simm.s32 $0xFFFFFFFF;
	p2 =	slt.u32 s8, $0xFFFFF086  }
0x1c: {  	p1 =	slt.u32 s9, $0xF7A;
	s5 =	simm.s32 @!p2 $0x0  }
0x1d: {  	s5 =	simm.s32 @p1 $0x1;
	p0 =	seq.s32 s7, s2  }
0x1e: {  	s7 =	smul.u32 @!p0 $0xF7A, s2;
	p2 =	seq.s32 @!p0 s5, $0x0  }
0x1f: {  	s9 =	smul.u32 $0xF7A, s1;
	s8 =	simm.s32 @!p0 $0x1BF5;
	p2 =	por !p2, p0  }
0x20: {  	[sflag:s8] =	ssyncset.s32 @!p0 $0xFFFFF086;
	s6 =	sadd.s32 @!p0 s3, s7;
	s7 =	simm.s32 @!p0 $0x108  }
0x21: {  	s3 =	sadd.s32 s3, s9;
	s6 =	sadd.s32 @!p0 $0x88, s6;
	s7 =	simm.s32 @p2 $0x1082  }
0x22: {  	[simem:s7], [sflag:s8] =	dma.local @!p0 [hbm:s6], $0xF7A  }
0x23: {  	s9 =	sor.u32 $0xD0000000, s2;
	s6 =	simm.s32 $0x108;
	_ =	swait.ge @!p0 [sflag:s8], $0x0  }
0x24: {  	s3 =	sadd.s32 $0x88, s3;
	s6 =	simm.s32 @!p1 $0x1082;
	[sflag:s4] =	ssyncset.s32 $0xFFFFF086  }
0x25: {  	[simem:s6], [sflag:s4] =	dma.local [hbm:s3], $0xF7A  }
0x26: {  	[smem:$0x3F97] =	sst s1;
	(tag) =	ssettag s2;
	_ =	strace s9  }
0x27: {  	s1 =	sld [smem:$0x3FA7]  }
0x28: {  	s2 =	sld [smem:$0x3FA8]  }
0x29: {  	s4 =	sld [smem:$0x3FAA]  }
0x2a: {  	p0 =	seq.s32 s5, $0x0;
	s5 =	sld [smem:$0x3FAB]  }
0x2b: {  	s6 =	sld [smem:$0x3FAC]  }
0x2c: {  	s7 =	sld [smem:$0x3FAD]  }
0x2d: {  	s3 =	simm.s32 $0x108;
	s8 =	sld [smem:$0x3FAE]  }
0x2e: {  	s3 =	simm.s32 @!p0 $0x1082;
	s9 =	sld [smem:$0x3FAF]  }
0x2f: {  	lr =	sadd.s32 s0, s3;
	s0 =	sld [smem:$0x3FA6]  }
0x30: {  	s3 =	sld [smem:$0x3FA9]  }
0x31: {  	[smem:$0x3FB2] =	sst s10  }
0x32: {  	s10 =	sld [smem:$0x3FB0];
	_ =	sdelay $0x3  }
0x33: {  	p0 =	seq.s32 s10, $0x1;
	s10 =	sld [smem:$0x3FB2];
	_ =	sdelay $0x3  }
0x34: {  	[smem:$0x3FB2] =	sst s10  }
0x35: {  	s10 =	sld [smem:$0x3FB1];
	_ =	sdelay $0x3  }
0x36: {  	p1 =	seq.s32 s10, $0x1;
	s10 =	sld [smem:$0x3FB2];
	_ =	sdelay $0x3  }
0x37: {  	[smem:$0x3FB2] =	sst s10  }
0x38: {  	s10 =	sld [smem:$0x3FB3]  }
0x39: {  	_ = 	snop;
	(pc) =	sbr.ind lr, $3  }
0x3a: {  	_ = 	snop  }
0x3b: {  	_ = 	snop  }
0x3c: {  	p2 =	seq.s32 s10, $0x1;
	s10 =	sld [smem:$0x3FB2]  }
0x3d: {  	_ =	shalt  }
0x3e: {  	_ =	shalt  }
0x3f: {  	_ =	shalt  }
0x40: {  	_ =	shalt  }
0x41: {  	_ =	shalt  }
0x42: {  	_ =	shalt  }
0x43: {  	_ =	shalt  }
0x44: {  	_ =	shalt  }
0x45: {  	_ =	shalt  }
0x46: {  	_ =	shalt  }
0x47: {  	_ =	shalt  }
0x48: {  	_ =	shalt  }
0x49: {  	_ =	shalt  }
0x4a: {  	_ =	shalt  }
0x4b: {  	_ =	shalt  }
0x4c: {  	_ =	shalt  }
0x4d: {  	_ =	shalt  }
0x4e: {  	_ =	shalt  }
0x4f: {  	_ =	shalt  }
0x50: {  	_ =	shalt  }
0x51: {  	_ =	shalt  }
0x52: {  	_ =	shalt  }
0x53: {  	_ =	shalt  }
0x54: {  	_ =	shalt  }
0x55: {  	_ =	shalt  }
0x56: {  	_ =	shalt  }
0x57: {  	_ =	shalt  }
0x58: {  	_ =	shalt  }
0x59: {  	_ =	shalt  }
0x5a: {  	_ =	shalt  }
0x5b: {  	_ =	shalt  }
0x5c: {  	_ =	shalt  }
0x5d: {  	_ =	shalt  }
0x5e: {  	_ =	shalt  }
0x5f: {  	_ =	shalt  }
0x60: {  	_ =	shalt  }
0x61: {  	_ =	shalt  }
0x62: {  	_ =	shalt  }
0x63: {  	_ =	shalt  }
0x64: {  	_ =	shalt  }
0x65: {  	_ =	shalt  }
0x66: {  	_ =	shalt  }
0x67: {  	_ =	shalt  }
0x68: {  	_ =	shalt  }
0x69: {  	_ =	shalt  }
0x6a: {  	_ =	shalt  }
0x6b: {  	_ =	shalt  }
0x6c: {  	_ =	shalt  }
0x6d: {  	_ =	shalt  }
0x6e: {  	_ =	shalt  }
0x6f: {  	_ =	shalt  }
0x70: {  	_ =	shalt  }
0x71: {  	_ =	shalt  }
0x72: {  	_ =	shalt  }
0x73: {  	_ =	shalt  }
0x74: {  	_ =	shalt  }
0x75: {  	_ =	shalt  }
0x76: {  	_ =	shalt  }
0x77: {  	_ =	shalt  }
0x78: {  	_ =	shalt  }
0x79: {  	_ =	shalt  }
0x7a: {  	_ =	shalt  }
0x7b: {  	_ =	shalt  }
0x7c: {  	_ =	shalt  }
0x7d: {  	_ =	shalt  }
0x7e: {  	_ =	shalt  }
0x7f: {  	_ =	shalt  }
0x80: {  	_ =	shalt  }
0x81: {  	_ =	shalt  }
0x82: {  	_ =	shalt  }
0x83: {  	_ =	shalt  }
0x84: {  	_ =	shalt  }
0x85: {  	_ =	shalt  }
0x86: {  	_ =	shalt  }
0x87: {  	_ =	shalt  }
.Lfunc_end0:
.L_simem_size_0:
called_computation_lowered:
.L_overlay_start_0:
0x88: {  	s2 =	sld [smem:$0x3FD9]  }
0x89: {  	s3 =	sld [smem:$0x3FFE];
	_ =	sdelay $0x1  }
0x8a: {  	s1 =	srdreg.scid  }
0x8b: {  	s0 =	sand.u32 $0x1, s1  }
0x8c: {  	s16 =	sshll.u32 s0, $0xA;
	s2 =	sadd.s32 s3, s2  }
0x8d: {  	s2 =	sadd.s32 s2, s16  }
0x8e: {  	[smem:$0x3FBE] =	sst s2  }
0x8f: {  	_ = 	snop  }
0x90: {  	(tm) =	ssettm $0x1  }
0x91: {  	s17 =	sld [smem:$0x3FFB];
	_ =	sdelay $0x3  }
0x92: {  	_ =	strace s17  }
0x93: {  	s2 =	sld [smem:$0x3FFC];
	_ =	sdelay $0x3  }
0x94: {  	_ =	strace s2  }
0x95: {  	s2 =	sld [smem:$0x3FFD];
	_ =	sdelay $0x3  }
0x96: {  	_ =	strace s2  }
0x97: {  	_ =	strace $0x8FFFFFFF  }
0x98: {  	s18 =	sld [smem:$0x3FDB];
	_ =	sdelay $0x1  }
0x99: {  	s19 =	simm.s32 $_scs_section_size  }
0x9a: {  	s4 =	simm.s32 $_size__tile_overlayer_lowered;
	s5 =	simm.s32 $_tile_overlayer_lowered  }
0x9b: {  	s22 =	simm.s32 $0x1BFF;
	s21 =	sshll.u32 s5, $0x1;
	s2 =	sadd.s32 s19, s18  }
0x9c: {  	s6 =	simm.s32 $0x0;
	s20 =	sshll.u32 s4, $0x1;
	s4 =	sadd.s32 s21, s2  }
0x9d: {  	[timem:s6], [sflag:s22] =	dma.local [hbm:s4], s20  }
0x9e: {  	_ =	swait.ge [sflag:s22], s20  }
0x9f: {  	s3 =	ssub.s32 $0x0, s20;
	[sflag:s22] =	ssyncset.done $0x0  }
0xa0: {  	[sflag:s22] =	ssyncadd.s32 s3;
	_ =	sdelay $0x1  }
0xa1: {  	s23 =	simm.s32 $0x1B8B  }
0xa2: {  	_ =	swait.ge [sflag:s23], $0x1  }
0xa3: {  	[sflag:s23] =	ssyncset.done $0x0  }
0xa4: {  	s25 =	simm.s32 $0x1B8E;
	s24 =	sld [smem:$0x3FFE];
	[sflag:s23] =	ssyncadd.s32 $0xFFFFFFFF  }
0xa5: {  	s26 =	simm.s32 $execute0_lowered;
	[smem:$0x3FD2] =	sst s25  }
0xa6: {  	s4 =	sshll.u32 s26, $0x1;
	_ =	strace $0x80000046;
	[dreg:$0x1] =	wrdreg $0xFFFFFFFF  }
0xa7: {  	s28 =	simm.s32 $_size_execute0_lowered;
	s2 =	sadd.s32 s2, s4;
	[dreg:$0x0] =	wrdreg $0x0  }
0xa8: {  	s4 =	sshll.u32 s28, $0x1;
	[dreg:$0x2] =	wrdreg s2  }
0xa9: {  	[dreg:$0x3] =	wrdreg s4  }
0xaa: {  	[dreg:$0x4] =	wrdreg $0xC0  }
0xab: {  	_ =	task [dreg:s6], $0x5FFFF  }
0xac: {  	[dreg:$0x1] =	wrdreg $0xFFFFFFFF  }
0xad: {  	[dreg:$0x0] =	wrdreg $0x60  }
0xae: {  	[dreg:$0x2] =	wrdreg s24  }
0xaf: {  	[dreg:$0x3] =	wrdreg $0x28800  }
0xb0: {  	[dreg:$0x4] =	wrdreg $0x9  }
0xb1: {  	_ =	task.clear_ibuf [dreg:s6], $0x5FFFF;
	_ =	strace $0x90000046  }
0xb2: {  	s29 =	simm.s32 $0x9;
	_ =	strace $0x80000048  }
0xb3: {  	_ =	swait.ge [sflag:s29], $0x1  }
0xb4: {  	[sflag:s29] =	ssyncadd.s32 $0xFFFFFFFF  }
0xb5: {  	_ =	strace $0x90000048  }
0xb6: {  	_ =	sfence  }
0xb7: {  	s30 =	sld [smem:$0x0];
	_ =	sdelay $0x2  }
0xb8: {  	s31 =	sshll.u32 s1, $0xD;
	s1 =	sshrl.u32 s1, $0x2  }
0xb9: {  	s3 =	sand.u32 $0x4000, s31;
	s1 =	sadd.s32 s1, s30  }
0xba: {  	s0 =	sor.u32 s3, s0;
	s1 =	sshll.u32 s1, $0x11  }
0xbb: {  	s0 =	sor.u32 s1, s0  }
0xbc: {  	s0 =	sadd.s32 $0x8F2B, s0  }
0xbd: {  	[sflag:s0] =	ssyncadd.remote.s32 $0x1  }
0xbe: {  	_ =	sfence.sel $0xFFFF  }
0xbf: {  	[dreg:$0x0] =	wrdreg $0xFFFFFFFF;
	(pc) =	sbr.abs _section_cstart, $3  }
0xc0: {  	[dreg:$0x1] =	wrdreg $0xFFFFFFFF  }
0xc1: {  	_ =	task.clear_ibuf [dreg:s6], $0x2FFFF;
	_ =	strace $0x9FFFFFFF  }
0xc2: {  	(tm) =	ssettm $0x7FFFFFFF  }
0xc3: {  	_ =	shalt  }
tec
execute0_lowered:
.L_overlay_start_1:
0x0: {  	(tag) =	ssettag $0x1  }
0x1: {  	s5 =	rddreg [dreg:$0x0]  }
0x2: {  	s0 =	srdreg.scid;
	s2 =	rddreg [dreg:$0x1]  }
0x3: {  	s3 =	simm.s32 $0x0;
	s12 =	simm.s32 $0x2800;
	s13 =	simm.s32 $0x80  }
0x4: {  	s14 =	simm.s32 $0x20;
	s4 =	sand.u32 $0x1, s0;
	s0 =	stileid.u32  }
0x5: {  	s15 =	simm.s32 $0x10;
	s16 =	simm.s32 $0x0;
	s7 =	smul.u32 $0x280, s0  }
0x6: {  	[smem:$0x7FF] =	sst s3;
	s1 =	sshll.u32 s4, $0x4;
	s8 =	smul.u32 $0x500, s0  }
0x7: {  	s9 =	sshll.u32 s4, $0x7;
	s29 =	ssub.s32 $0x2, s4;
	s4 =	sadd.s32 $0xD600, s5  }
0x8: {  	s31 =	sshll.u32 s0, $0x6;
	s1 =	sor.u32 s0, s1;
	s30 =	sshrl.u32 s29, $0x1  }
0x9: {  	s6 =	smul.u32 $0x500, s1;
	s1 =	rddreg [dreg:$0x2];
	_ =	strace $0x80000047  }
0xa: {  	s28 =	sshrl.u32 s7, $0x3;
	s8 =	sor.u32 s9, s8;
	s9 =	ssub.s32 s29, s30  }
0xb: {  	s11 =	sadd.s32 s7, s2;
	s8 =	sshrl.u32 s8, $0x3;
	s9 =	smax.u32 s9, $0x1  }
0xc: {  	s10 =	sadd.s32 s6, s5;
	s6 =	sadd.s32 s28, s5;
	s8 =	sadd.s32 s8, s5  }
0xd: {  	s5 =	sadd.s32 $0xD000, s6;
	s6 =	sor.u32 $0x1C01, s31;
	s7 =	sadd.s32 $0x3000, s10  }
0xe: {  	s8 =	sadd.s32 $0xD800, s8;
	s10 =	sshrl.u32 s11, $0x3;
	s11 =	simm.s32 $0x1  }
.LBB2_1:
0xf: {  	[spmem:s10], [sflag:s6] =	dma.local [hbm:s5], $0x50  }
0x10: {  	_ =	swait.ge [sflag:s11], $0x50  }
0x11: {  	[sflag:s11] =	ssyncset.done $0x0  }
0x12: {  	[sflag:s11] =	ssyncadd.s32 $0xFFFFFFB0  }
0x13: {  	[tilespmem:s3], [sflag:$0x1] =	stream.linear.gather [hbm4b:s7+s3], $0x2800, $0x38;
	[tilespmem:$0x2B00] =	vst v63  }
0x14: {  	_ =	swait.ge [sflag:s11], $0x2800  }
0x15: {  	[sflag:s11] =	ssyncset.done $0x0  }
0x16: {  	[sflag:s11] =	ssyncadd.s32 $0xFFFFD800  }
0x17: {  	[tilespmem:s12], [sflag:$0x1] =	stream.linear.gather [hbm4b:s4+s3], $0x80, $0x38;
	[tilespmem:$0x2B00] =	vst v63  }
0x18: {  	_ =	swait.ge [sflag:s11], $0x80  }
0x19: {  	[sflag:s11] =	ssyncset.done $0x0  }
0x1a: {  	[sflag:s11] =	ssyncadd.s32 $0xFFFFFF80  }
0x1b: {  	s17 =	simm.s32 $0x0;
	[bflag:$0x0] =	sbarrier.arrive $0xFFFF  }
0x1c: {  	[spmem:s2] =	stream.indirect.scatter.add.f32 [tilespmem:s12], [sflag:$0x1], $0x1, s17, s13, $0xb8;
	[tilespmem:$0x2B00] =	vst v63  }
0x1d: {  	_ =	swait.ge [sflag:s11], $0x80  }
0x1e: {  	s17 =	simm.s32 $0x200;
	[sflag:s11] =	ssyncset.done $0x0  }
.LBB2_2:
0x1f: {  	s18 =	sshra.s32 s17, $0x2;
	[sflag:s11] =	ssyncadd.s32 $0xFFFFFF80;
	p0 =	sne.s32 s17, $0x9E00  }
0x20: {  	[spmem:s2] =	stream.indirect.scatter.add.f32 [tilespmem:s12], [sflag:$0x1], $0x1, s18, s13, $0xb8;
	[tilespmem:$0x2B00] =	vst v63  }
.Ltmp0:
0x21: {  	_ = 	snop;
	(pc) =	sbr.rel @p0 .LBB2_2-.Ltmp0, $4  }
0x22: {  	_ = 	snop  }
0x23: {  	s17 =	sadd.s32 $0x200, s17  }
0x24: {  	_ =	swait.ge [sflag:s11], $0x80  }
0x25: {  	[sflag:s11] =	ssyncset.done $0x0  }
0x26: {  	s16 =	sadd.s32 $0x1, s16  }
0x27: {  	[sflag:s11] =	ssyncadd.s32 $0xFFFFFF80;
	p0 =	sne.s32 s16, s9  }
.Ltmp1:
0x28: {  	[bflag:$0x0] =	sbarrier.arrive $0xFFFF;
	(pc) =	sbr.rel @p0 .LBB2_1-.Ltmp1, $4  }
0x29: {  	[hbm:s8@s14], [sflag:s6] =	dma.strided [spmem:s10@s15], $0x50, s11, $0x10   }
0x2a: {  	_ =	swait.ge [sflag:s11], $0x50  }
0x2b: {  	[sflag:s11] =	ssyncset.done $0x0  }
0x2c: {  	[sflag:s11] =	ssyncadd.s32 $0xFFFFFFB0  }
0x2d: {  	_ =	sfence.sel $0x180000  }
0x2e: {  	[bflag:$0x0] =	sbarrier.arrive $0xFFFF  }
0x2f: {  	p0 =	sne.s32 s0, $0x0;
	_ =	strace $0x90000047  }
0x30: {  	s0 =	sadd.s32 @!p0 $0x100000, s1;
	[bflag:$0x2] =	sbarrier.arrive $0xFFFF  }
0x31: {  	[sflag:s0] =	ssyncadd.tile.s32 @!p0 $0x1;
	_ =	shalt  }
.Lfunc_end2:
_tile_overlayer_lowered:
.L_overlay_start_2:
0x32: {  	(tag) =	ssettag $0x2  }
0x33: {  	s0 =	rddreg [dreg:$0x0];
	s2 =	stileid.u32  }
0x34: {  	s1 =	rddreg [dreg:$0x1];
	p0 =	sne.s32 s2, $0x0  }
0x35: {  	s3 =	rddreg [dreg:$0x2];
	[bflag:$0x3] =	sbarrier.arrive $0xFFFF;
	s2 =	simm.s32 @!p0 $0x1C01  }
0x36: {  	[timem:s3], [sflag:s2] =	dma.local @!p0 [hbm:s0], s1  }
0x37: {  	s0 =	simm.s32 @!p0 $0x1  }
0x38: {  	_ =	swait.ge @!p0 [sflag:s0], s1  }
0x39: {  	s1 =	ssub.s32 @!p0 $0x0, s1;
	[sflag:s0] =	ssyncset.done @!p0 $0x0  }
0x3a: {  	[sflag:s0] =	ssyncadd.s32 @!p0 s1  }
0x3b: {  	[bflag:$0x3] =	sbarrier.arrive $0xFFFF  }
0x3c: {  	_ =	shalt  }

// kernel: kernel.13.cloned.1.call-start
scs
__scs_entry_jumppad:
0x0: {  	(pc) =	sbr.rel $0x88, $3  }
0x1: {  	(tag) =	ssettag $0x0;
	lr =	simm.s32 $0x1  }
0x2: {  	[smem:$0x3F97] =	sst lr;
	_ =	strace $0xD0000000  }
0x3: {  	_ = 	snop  }
0x4: {  	_ = 	snop  }
0x5: {  	_ = 	snop  }
0x6: {  	_ = 	snop  }
0x7: {  	_ = 	snop  }
__scs_overlays_trampoline_lowered:
0x8: {  	[smem:$0x3FA6] =	sst s0  }
0x9: {  	[smem:$0x3FA7] =	sst s1  }
0xa: {  	[smem:$0x3FA8] =	sst s2  }
0xb: {  	[smem:$0x3FA9] =	sst s3  }
0xc: {  	[smem:$0x3FAA] =	sst s4  }
0xd: {  	[smem:$0x3FAB] =	sst s5  }
0xe: {  	[smem:$0x3FAC] =	sst s6  }
0xf: {  	[smem:$0x3FAD] =	sst s7  }
0x10: {  	[smem:$0x3FAE] =	sst s8  }
0x11: {  	[smem:$0x3FAF] =	sst s9;
	s0 =	simm.s32 @!p0 $0x0  }
0x12: {  	s1 =	sld [smem:$0x3F95];
	s0 =	simm.s32 @p0 $0x1  }
0x13: {  	[smem:$0x3FB0] =	sst s0;
	s0 =	simm.s32 @!p1 $0x0  }
0x14: {  	s2 =	sld [smem:$0x3F94];
	s0 =	simm.s32 @p1 $0x1  }
0x15: {  	[smem:$0x3FB1] =	sst s0;
	s0 =	simm.s32 @!p2 $0x0  }
0x16: {  	s3 =	sld [smem:$0x3FDB];
	s0 =	simm.s32 @p2 $0x1  }
0x17: {  	s4 =	simm.s32 $0x1BF5;
	[smem:$0x3FB3] =	sst s0  }
0x18: {  	s0 =	sld [smem:$0x3F96];
	_ =	swait.ge [sflag:s4], $0x0  }
0x19: {  	s7 =	sld [smem:$0x3F97]  }
0x1a: {  	s8 =	sadd.s32 $0xFFFFE003, lr  }
0x1b: {  	s9 =	sadd.s32 $0xFFFFFEF7, lr;
	s5 =	simm.s32 $0xFFFFFFFF;
	p2 =	slt.u32 s8, $0xFFFFF086  }
0x1c: {  	p1 =	slt.u32 s9, $0xF7A;
	s5 =	simm.s32 @!p2 $0x0  }
0x1d: {  	s5 =	simm.s32 @p1 $0x1;
	p0 =	seq.s32 s7, s2  }
0x1e: {  	s7 =	smul.u32 @!p0 $0xF7A, s2;
	p2 =	seq.s32 @!p0 s5, $0x0  }
0x1f: {  	s9 =	smul.u32 $0xF7A, s1;
	s8 =	simm.s32 @!p0 $0x1BF5;
	p2 =	por !p2, p0  }
0x20: {  	[sflag:s8] =	ssyncset.s32 @!p0 $0xFFFFF086;
	s6 =	sadd.s32 @!p0 s3, s7;
	s7 =	simm.s32 @!p0 $0x108  }
0x21: {  	s3 =	sadd.s32 s3, s9;
	s6 =	sadd.s32 @!p0 $0x88, s6;
	s7 =	simm.s32 @p2 $0x1082  }
0x22: {  	[simem:s7], [sflag:s8] =	dma.local @!p0 [hbm:s6], $0xF7A  }
0x23: {  	s9 =	sor.u32 $0xD0000000, s2;
	s6 =	simm.s32 $0x108;
	_ =	swait.ge @!p0 [sflag:s8], $0x0  }
0x24: {  	s3 =	sadd.s32 $0x88, s3;
	s6 =	simm.s32 @!p1 $0x1082;
	[sflag:s4] =	ssyncset.s32 $0xFFFFF086  }
0x25: {  	[simem:s6], [sflag:s4] =	dma.local [hbm:s3], $0xF7A  }
0x26: {  	[smem:$0x3F97] =	sst s1;
	(tag) =	ssettag s2;
	_ =	strace s9  }
0x27: {  	s1 =	sld [smem:$0x3FA7]  }
0x28: {  	s2 =	sld [smem:$0x3FA8]  }
0x29: {  	s4 =	sld [smem:$0x3FAA]  }
0x2a: {  	p0 =	seq.s32 s5, $0x0;
	s5 =	sld [smem:$0x3FAB]  }
0x2b: {  	s6 =	sld [smem:$0x3FAC]  }
0x2c: {  	s7 =	sld [smem:$0x3FAD]  }
0x2d: {  	s3 =	simm.s32 $0x108;
	s8 =	sld [smem:$0x3FAE]  }
0x2e: {  	s3 =	simm.s32 @!p0 $0x1082;
	s9 =	sld [smem:$0x3FAF]  }
0x2f: {  	lr =	sadd.s32 s0, s3;
	s0 =	sld [smem:$0x3FA6]  }
0x30: {  	s3 =	sld [smem:$0x3FA9]  }
0x31: {  	[smem:$0x3FB2] =	sst s10  }
0x32: {  	s10 =	sld [smem:$0x3FB0];
	_ =	sdelay $0x3  }
0x33: {  	p0 =	seq.s32 s10, $0x1;
	s10 =	sld [smem:$0x3FB2];
	_ =	sdelay $0x3  }
0x34: {  	[smem:$0x3FB2] =	sst s10  }
0x35: {  	s10 =	sld [smem:$0x3FB1];
	_ =	sdelay $0x3  }
0x36: {  	p1 =	seq.s32 s10, $0x1;
	s10 =	sld [smem:$0x3FB2];
	_ =	sdelay $0x3  }
0x37: {  	[smem:$0x3FB2] =	sst s10  }
0x38: {  	s10 =	sld [smem:$0x3FB3]  }
0x39: {  	_ = 	snop;
	(pc) =	sbr.ind lr, $3  }
0x3a: {  	_ = 	snop  }
0x3b: {  	_ = 	snop  }
0x3c: {  	p2 =	seq.s32 s10, $0x1;
	s10 =	sld [smem:$0x3FB2]  }
0x3d: {  	_ =	shalt  }
0x3e: {  	_ =	shalt  }
0x3f: {  	_ =	shalt  }
0x40: {  	_ =	shalt  }
0x41: {  	_ =	shalt  }
0x42: {  	_ =	shalt  }
0x43: {  	_ =	shalt  }
0x44: {  	_ =	shalt  }
0x45: {  	_ =	shalt  }
0x46: {  	_ =	shalt  }
0x47: {  	_ =	shalt  }
0x48: {  	_ =	shalt  }
0x49: {  	_ =	shalt  }
0x4a: {  	_ =	shalt  }
0x4b: {  	_ =	shalt  }
0x4c: {  	_ =	shalt  }
0x4d: {  	_ =	shalt  }
0x4e: {  	_ =	shalt  }
0x4f: {  	_ =	shalt  }
0x50: {  	_ =	shalt  }
0x51: {  	_ =	shalt  }
0x52: {  	_ =	shalt  }
0x53: {  	_ =	shalt  }
0x54: {  	_ =	shalt  }
0x55: {  	_ =	shalt  }
0x56: {  	_ =	shalt  }
0x57: {  	_ =	shalt  }
0x58: {  	_ =	shalt  }
0x59: {  	_ =	shalt  }
0x5a: {  	_ =	shalt  }
0x5b: {  	_ =	shalt  }
0x5c: {  	_ =	shalt  }
0x5d: {  	_ =	shalt  }
0x5e: {  	_ =	shalt  }
0x5f: {  	_ =	shalt  }
0x60: {  	_ =	shalt  }
0x61: {  	_ =	shalt  }
0x62: {  	_ =	shalt  }
0x63: {  	_ =	shalt  }
0x64: {  	_ =	shalt  }
0x65: {  	_ =	shalt  }
0x66: {  	_ =	shalt  }
0x67: {  	_ =	shalt  }
0x68: {  	_ =	shalt  }
0x69: {  	_ =	shalt  }
0x6a: {  	_ =	shalt  }
0x6b: {  	_ =	shalt  }
0x6c: {  	_ =	shalt  }
0x6d: {  	_ =	shalt  }
0x6e: {  	_ =	shalt  }
0x6f: {  	_ =	shalt  }
0x70: {  	_ =	shalt  }
0x71: {  	_ =	shalt  }
0x72: {  	_ =	shalt  }
0x73: {  	_ =	shalt  }
0x74: {  	_ =	shalt  }
0x75: {  	_ =	shalt  }
0x76: {  	_ =	shalt  }
0x77: {  	_ =	shalt  }
0x78: {  	_ =	shalt  }
0x79: {  	_ =	shalt  }
0x7a: {  	_ =	shalt  }
0x7b: {  	_ =	shalt  }
0x7c: {  	_ =	shalt  }
0x7d: {  	_ =	shalt  }
0x7e: {  	_ =	shalt  }
0x7f: {  	_ =	shalt  }
0x80: {  	_ =	shalt  }
0x81: {  	_ =	shalt  }
0x82: {  	_ =	shalt  }
0x83: {  	_ =	shalt  }
0x84: {  	_ =	shalt  }
0x85: {  	_ =	shalt  }
0x86: {  	_ =	shalt  }
0x87: {  	_ =	shalt  }
.Lfunc_end0:
.L_simem_size_0:
called_computation.1_lowered:
.L_overlay_start_0:
0x88: {  	s2 =	sld [smem:$0x3FD9]  }
0x89: {  	s3 =	sld [smem:$0x3FFE];
	_ =	sdelay $0x1  }
0x8a: {  	s1 =	srdreg.scid  }
0x8b: {  	s0 =	sand.u32 $0x1, s1  }
0x8c: {  	s17 =	sshll.u32 s0, $0xA;
	s2 =	sadd.s32 s3, s2  }
0x8d: {  	s2 =	sadd.s32 s2, s17  }
0x8e: {  	[smem:$0x3FBE] =	sst s2  }
0x8f: {  	_ = 	snop  }
0x90: {  	s2 =	sld [smem:$0x3FD0];
	(tm) =	ssettm $0x1  }
0x91: {  	s18 =	sld [smem:$0x3FFB];
	_ =	sdelay $0x3  }
0x92: {  	_ =	strace s18  }
0x93: {  	s3 =	sld [smem:$0x3FFC];
	_ =	sdelay $0x3  }
0x94: {  	_ =	strace s3  }
0x95: {  	s3 =	sld [smem:$0x3FFD];
	_ =	sdelay $0x3  }
0x96: {  	_ =	strace s3  }
0x97: {  	_ =	strace $0x8FFFFFFF  }
0x98: {  	s19 =	sld [smem:$0x3FDB];
	_ =	sdelay $0x1  }
0x99: {  	s4 =	simm.s32 $_scs_section_size  }
0x9a: {  	s5 =	simm.s32 $_size__tile_overlayer_lowered;
	s6 =	simm.s32 $_tile_overlayer_lowered  }
0x9b: {  	s22 =	simm.s32 $0x1BFF;
	s21 =	sshll.u32 s6, $0x1;
	s3 =	sadd.s32 s4, s19  }
0x9c: {  	s7 =	simm.s32 $0x0;
	s20 =	sshll.u32 s5, $0x1;
	s5 =	sadd.s32 s21, s3  }
0x9d: {  	[timem:s7], [sflag:s22] =	dma.local [hbm:s5], s20  }
0x9e: {  	_ =	swait.ge [sflag:s22], s20  }
0x9f: {  	s4 =	ssub.s32 $0x0, s20;
	[sflag:s22] =	ssyncset.done $0x0  }
0xa0: {  	[sflag:s22] =	ssyncadd.s32 s4;
	_ =	sdelay $0x1  }
0xa1: {  	s23 =	simm.s32 $0x1B8B  }
0xa2: {  	_ =	swait.ge [sflag:s23], $0x1  }
0xa3: {  	[sflag:s23] =	ssyncset.done $0x0  }
0xa4: {  	s25 =	simm.s32 $0x1B8E;
	s24 =	sld [smem:$0x3FFE];
	[sflag:s23] =	ssyncadd.s32 $0xFFFFFFFF  }
0xa5: {  	s26 =	simm.s32 $execute0_lowered;
	[smem:$0x3FD2] =	sst s25  }
0xa6: {  	s5 =	sshll.u32 s26, $0x1;
	_ =	strace $0x80000049;
	[dreg:$0x1] =	wrdreg $0xFFFFFFFF  }
0xa7: {  	s28 =	simm.s32 $_size_execute0_lowered;
	s3 =	sadd.s32 s3, s5;
	[dreg:$0x0] =	wrdreg $0x0  }
0xa8: {  	s5 =	sshll.u32 s28, $0x1;
	[dreg:$0x2] =	wrdreg s3  }
0xa9: {  	[dreg:$0x3] =	wrdreg s5  }
0xaa: {  	[dreg:$0x4] =	wrdreg $0xC0  }
0xab: {  	_ =	task [dreg:s7], $0x5FFFF  }
0xac: {  	[dreg:$0x1] =	wrdreg $0xFFFFFFFF  }
0xad: {  	[dreg:$0x0] =	wrdreg $0x60  }
0xae: {  	[dreg:$0x2] =	wrdreg s24  }
0xaf: {  	[dreg:$0x3] =	wrdreg s2  }
0xb0: {  	[dreg:$0x4] =	wrdreg $0xA8000  }
0xb1: {  	[dreg:$0x5] =	wrdreg $0x9  }
0xb2: {  	_ =	task.clear_ibuf [dreg:s7], $0x6FFFF;
	_ =	strace $0x90000049  }
0xb3: {  	s29 =	simm.s32 $0x9;
	_ =	strace $0x8000004B  }
0xb4: {  	_ =	swait.ge [sflag:s29], $0x1  }
0xb5: {  	[sflag:s29] =	ssyncadd.s32 $0xFFFFFFFF  }
0xb6: {  	_ =	strace $0x9000004B  }
0xb7: {  	_ =	sfence  }
0xb8: {  	s30 =	sld [smem:$0x0];
	_ =	sdelay $0x2  }
0xb9: {  	s31 =	sshll.u32 s1, $0xD;
	s1 =	sshrl.u32 s1, $0x2  }
0xba: {  	s3 =	sand.u32 $0x4000, s31;
	s1 =	sadd.s32 s1, s30  }
0xbb: {  	s0 =	sor.u32 s3, s0;
	s1 =	sshll.u32 s1, $0x11  }
0xbc: {  	s0 =	sor.u32 s1, s0  }
0xbd: {  	s0 =	sadd.s32 $0x8F2B, s0  }
0xbe: {  	[sflag:s0] =	ssyncadd.remote.s32 $0x1  }
0xbf: {  	_ =	sfence.sel $0xFFFF  }
0xc0: {  	[dreg:$0x0] =	wrdreg $0xFFFFFFFF;
	(pc) =	sbr.abs _section_cstart, $3  }
0xc1: {  	[dreg:$0x1] =	wrdreg $0xFFFFFFFF  }
0xc2: {  	_ =	task.clear_ibuf [dreg:s7], $0x2FFFF;
	_ =	strace $0x9FFFFFFF  }
0xc3: {  	(tm) =	ssettm $0x7FFFFFFF  }
tec
execute0_lowered:
.L_overlay_start_1:
0x0: {  	(tag) =	ssettag $0x1  }
0x1: {  	s5 =	rddreg [dreg:$0x0]  }
0x2: {  	s11 =	rddreg [dreg:$0x1]  }
0x3: {  	s2 =	rddreg [dreg:$0x2]  }
0x4: {  	s0 =	rddreg [dreg:$0x3]  }
0x5: {  	s1 =	stileid.u32;
	s4 =	srdreg.scid  }
0x6: {  	s3 =	simm.s32 $0x0;
	s15 =	simm.s32 $0x1400;
	s16 =	simm.s32 $0x80  }
0x7: {  	s17 =	simm.s32 $0x2800;
	s18 =	simm.s32 $0x6800;
	s19 =	simm.s32 $0x1  }
0x8: {  	s20 =	simm.s32 $0x2;
	s21 =	simm.s32 $0x1380;
	s22 =	simm.s32 $0x2700  }
0x9: {  	s6 =	smul.u32 $0x14000, s1;
	s7 =	sand.u32 $0x1, s4;
	[smem:$0x7FF] =	sst s3  }
0xa: {  	s4 =	sadd.s32 $0xD000, s5;
	s12 =	sadd.s32 $0x3000, s5;
	s10 =	smul.u32 $0x50000, s1  }
0xb: {  	s30 =	sshll.u32 s1, $0x6;
	s8 =	smul.u32 $0x140000, s7;
	_ =	strace $0x8000004A  }
0xc: {  	s24 =	ssub.s32 $0x2, s7;
	s7 =	sshll.u32 s7, $0x4;
	s9 =	sshrl.u32 s6, $0x3  }
0xd: {  	s25 =	sshrl.u32 s24, $0x1;
	s26 =	sor.u32 s1, s7;
	s28 =	sshrl.u32 s10, $0x2  }
0xe: {  	s6 =	sadd.s32 s6, s8;
	s23 =	sadd.s32 s9, s5;
	s9 =	ssub.s32 s24, s25  }
0xf: {  	s29 =	smul.u32 $0x2800, s26;
	s14 =	sadd.s32 s28, s2;
	s6 =	sshrl.u32 s6, $0x3  }
0x10: {  	s24 =	simm.s32 $0x0;
	s8 =	smax.u32 s9, $0x1;
	s13 =	sadd.s32 s6, s5  }
0x11: {  	s5 =	sadd.s32 $0x35000, s23;
	s6 =	sor.u32 $0x1C03, s30;
	s10 =	sshrl.u32 s29, $0x3  }
0x12: {  	s23 =	simm.s32 $0x2780;
	s7 =	sadd.s32 $0x5D000, s13;
	s9 =	sadd.s32 s11, s10  }
0x13: {  	s31 =	sadd.s32 $0x280, s10;
	s10 =	sadd.s32 s12, s10;
	s13 =	sshrl.u32 s14, $0x3  }
0x14: {  	s14 =	simm.s32 $0x3;
	s11 =	sadd.s32 s11, s31;
	s12 =	sadd.s32 s12, s31  }
.LBB2_1:
0x15: {  	[spmem:s13], [sflag:s6] =	dma.local [hbm:s5], $0x2800  }
0x16: {  	_ =	swait.ge [sflag:s14], $0x2800  }
0x17: {  	[sflag:s14] =	ssyncset.done $0x0  }
0x18: {  	[sflag:s14] =	ssyncadd.s32 $0xFFFFD800  }
0x19: {  	[bflag:$0x0] =	sbarrier.arrive $0xFFFF  }
0x1a: {  	[tilespmem:s3], [sflag:$0x3] =	stream.linear.gather [hbm4b:s9+s3], $0x1400, $0x38;
	[tilespmem:$0x1E800] =	vst v63  }
0x1b: {  	_ =	swait.ge [sflag:s14], $0x1400  }
0x1c: {  	[sflag:s14] =	ssyncset.done $0x0  }
0x1d: {  	[sflag:s14] =	ssyncadd.s32 $0xFFFFEC00  }
0x1e: {  	[tilespmem:s15], [sflag:$0x3] =	stream.linear.gather [hbm4b:s10+s3], $0x1400, $0x38;
	[tilespmem:$0x1E800] =	vst v63  }
0x1f: {  	_ =	swait.ge [sflag:s14], $0x1400  }
0x20: {  	[sflag:s14] =	ssyncset.done $0x0  }
0x21: {  	[sflag:s14] =	ssyncadd.s32 $0xFFFFEC00  }
0x22: {  	[tilespmem:s17], [sflag:$0x1] =	stream.indirect.gather [hbm4b:s4+s16], $0x80, s3, s16, $0xb8;
	[tilespmem:$0x1E800] =	vst v63  }
0x23: {  	s25 =	simm.s32 $0x80  }
0x24: {  	[tilespmem:s18], [sflag:$0x2] =	stream.indirect.gather [hbm4b:s4+s16], $0x80, s25, s16, $0xb8;
	[tilespmem:$0x1E800] =	vst v63  }
0x25: {  	_ =	swait.ge [sflag:s19], $0x4000  }
0x26: {  	[sflag:s19] =	ssyncset.done $0x0  }
0x27: {  	s29 =	simm.s32 $0x1400;
	[sflag:s19] =	ssyncadd.s32 $0xFFFFC000  }
0x28: {  	[spmem:s2] =	stream.indirect.scatter.add.f32 [tilespmem:s17], [sflag:$0x3], $0x80, s29, s16, $0xb8;
	[tilespmem:$0x1E800] =	vst v63  }
0x29: {  	_ =	swait.ge [sflag:s14], $0x4000  }
0x2a: {  	[sflag:s14] =	ssyncset.done $0x0  }
0x2b: {  	s30 =	simm.s32 $0x100;
	[sflag:s14] =	ssyncadd.s32 $0xFFFFC000  }
0x2c: {  	[tilespmem:s17], [sflag:$0x1] =	stream.indirect.gather [hbm4b:s4+s16], $0x80, s30, s16, $0xb8;
	[tilespmem:$0x1E800] =	vst v63  }
0x2d: {  	_ =	swait.ge [sflag:s20], $0x4000  }
0x2e: {  	[sflag:s20] =	ssyncset.done $0x0  }
0x2f: {  	s31 =	simm.s32 $0x1480;
	[sflag:s20] =	ssyncadd.s32 $0xFFFFC000  }
0x30: {  	[spmem:s2] =	stream.indirect.scatter.add.f32 [tilespmem:s18], [sflag:$0x3], $0x80, s31, s16, $0xb8;
	[tilespmem:$0x1E800] =	vst v63  }
0x31: {  	_ =	swait.ge [sflag:s14], $0x4000  }
0x32: {  	s26 =	simm.s32 $0x800;
	s25 =	simm.s32 $0x100;
	[sflag:s14] =	ssyncset.done $0x0  }
.LBB2_2:
0x33: {  	s28 =	sadd.s32 $0x80, s25  }
0x34: {  	[sflag:s14] =	ssyncadd.s32 $0xFFFFC000;
	s29 =	smov.u32 s26;
	s30 =	sadd.s32 $0x400, s26  }
0x35: {  	[tilespmem:s18], [sflag:$0x2] =	stream.indirect.gather [hbm4b:s4+s16], $0x80, s28, s16, $0xb8;
	[tilespmem:$0x1E800] =	vst v63  }
0x36: {  	p0 =	sne.s32 s26, $0x4800;
	_ =	swait.ge [sflag:s19], $0x4000  }
0x37: {  	[sflag:s19] =	ssyncset.done $0x0  }
0x38: {  	s26 =	sadd.s32 $0x1400, s25;
	[sflag:s19] =	ssyncadd.s32 $0xFFFFC000  }
0x39: {  	[spmem:s2] =	stream.indirect.scatter.add.f32 [tilespmem:s17], [sflag:$0x3], $0x80, s26, s16, $0xb8;
	[tilespmem:$0x1E800] =	vst v63  }
0x3a: {  	_ =	swait.ge [sflag:s14], $0x4000  }
0x3b: {  	[sflag:s14] =	ssyncset.done $0x0  }
0x3c: {  	s26 =	sadd.s32 $0x100, s25;
	[sflag:s14] =	ssyncadd.s32 $0xFFFFC000  }
0x3d: {  	[tilespmem:s17], [sflag:$0x1] =	stream.indirect.gather [hbm4b:s4+s16], $0x80, s26, s16, $0xb8;
	[tilespmem:$0x1E800] =	vst v63  }
0x3e: {  	_ =	swait.ge [sflag:s20], $0x4000  }
.Ltmp0:
0x3f: {  	[sflag:s20] =	ssyncset.done $0x0;
	(pc) =	sbr.rel @p0 .LBB2_2-.Ltmp0, $4  }
0x40: {  	s25 =	sadd.s32 $0x1480, s25;
	[sflag:s20] =	ssyncadd.s32 $0xFFFFC000  }
0x41: {  	[spmem:s2] =	stream.indirect.scatter.add.f32 [tilespmem:s18], [sflag:$0x3], $0x80, s25, s16, $0xb8;
	[tilespmem:$0x1E800] =	vst v63  }
0x42: {  	_ =	swait.ge [sflag:s14], $0x4000  }
0x43: {  	s26 =	smov.u32 s30;
	s25 =	sshra.s32 s29, $0x2;
	[sflag:s14] =	ssyncset.done $0x0  }
0x44: {  	s26 =	sadd.s32 $0x80, s25;
	[sflag:s14] =	ssyncadd.s32 $0xFFFFC000  }
0x45: {  	[tilespmem:s18], [sflag:$0x2] =	stream.indirect.gather [hbm4b:s4+s16], $0x80, s26, s16, $0xb8;
	[tilespmem:$0x1E800] =	vst v63  }
0x46: {  	_ =	swait.ge [sflag:s19], $0x4000  }
0x47: {  	[sflag:s19] =	ssyncset.done $0x0  }
0x48: {  	s29 =	sadd.s32 $0x1400, s25;
	[sflag:s19] =	ssyncadd.s32 $0xFFFFC000  }
0x49: {  	[spmem:s2] =	stream.indirect.scatter.add.f32 [tilespmem:s17], [sflag:$0x3], $0x80, s29, s16, $0xb8;
	[tilespmem:$0x1E800] =	vst v63  }
0x4a: {  	_ =	swait.ge [sflag:s14], $0x4000  }
0x4b: {  	[sflag:s14] =	ssyncset.done $0x0  }
0x4c: {  	s30 =	sadd.s32 $0x100, s25;
	[sflag:s14] =	ssyncadd.s32 $0xFFFFC000  }
0x4d: {  	[tilespmem:s17], [sflag:$0x1] =	stream.indirect.gather [hbm4b:s4+s16], $0x80, s30, s16, $0xb8;
	[tilespmem:$0x1E800] =	vst v63  }
0x4e: {  	_ =	swait.ge [sflag:s20], $0x4000  }
0x4f: {  	[sflag:s20] =	ssyncset.done $0x0  }
0x50: {  	s31 =	sadd.s32 $0x1480, s25;
	[sflag:s20] =	ssyncadd.s32 $0xFFFFC000  }
0x51: {  	[spmem:s2] =	stream.indirect.scatter.add.f32 [tilespmem:s18], [sflag:$0x3], $0x80, s31, s16, $0xb8;
	[tilespmem:$0x1E800] =	vst v63  }
0x52: {  	_ =	swait.ge [sflag:s14], $0x4000  }
0x53: {  	[sflag:s14] =	ssyncset.done $0x0  }
0x54: {  	[sflag:s14] =	ssyncadd.s32 $0xFFFFC000  }
0x55: {  	[tilespmem:s18], [sflag:$0x2] =	stream.indirect.gather [hbm4b:s4+s16], $0x80, s21, s16, $0xb8;
	[tilespmem:$0x1E800] =	vst v63  }
0x56: {  	_ =	swait.ge [sflag:s19], $0x4000  }
0x57: {  	[sflag:s19] =	ssyncset.done $0x0  }
0x58: {  	[sflag:s19] =	ssyncadd.s32 $0xFFFFC000  }
0x59: {  	[spmem:s2] =	stream.indirect.scatter.add.f32 [tilespmem:s17], [sflag:$0x3], $0x80, s22, s16, $0xb8;
	[tilespmem:$0x1E800] =	vst v63  }
0x5a: {  	_ =	swait.ge [sflag:s14], $0x4000  }
0x5b: {  	[sflag:s14] =	ssyncset.done $0x0  }
0x5c: {  	[sflag:s14] =	ssyncadd.s32 $0xFFFFC000  }
0x5d: {  	_ =	swait.ge [sflag:s20], $0x4000  }
0x5e: {  	[sflag:s20] =	ssyncset.done $0x0  }
0x5f: {  	[sflag:s20] =	ssyncadd.s32 $0xFFFFC000  }
0x60: {  	[spmem:s2] =	stream.indirect.scatter.add.f32 [tilespmem:s18], [sflag:$0x3], $0x80, s23, s16, $0xb8;
	[tilespmem:$0x1E800] =	vst v63  }
0x61: {  	_ =	swait.ge [sflag:s14], $0x4000  }
0x62: {  	[sflag:s14] =	ssyncset.done $0x0  }
0x63: {  	s26 =	simm.s32 $0x0;
	[sflag:s14] =	ssyncadd.s32 $0xFFFFC000  }
0x64: {  	[tilespmem:s26], [sflag:$0x3] =	stream.linear.gather [hbm4b:s11+s26], $0x1400, $0x38;
	[tilespmem:$0x1E800] =	vst v63  }
0x65: {  	_ =	swait.ge [sflag:s14], $0x1400  }
0x66: {  	[sflag:s14] =	ssyncset.done $0x0  }
0x67: {  	[sflag:s14] =	ssyncadd.s32 $0xFFFFEC00  }
0x68: {  	[tilespmem:s15], [sflag:$0x3] =	stream.linear.gather [hbm4b:s12+s26], $0x1400, $0x38;
	[tilespmem:$0x1E800] =	vst v63  }
0x69: {  	_ =	swait.ge [sflag:s14], $0x1400  }
0x6a: {  	[sflag:s14] =	ssyncset.done $0x0  }
0x6b: {  	[sflag:s14] =	ssyncadd.s32 $0xFFFFEC00  }
0x6c: {  	[tilespmem:s17], [sflag:$0x1] =	stream.indirect.gather [hbm4b:s4+s16], $0x80, s26, s16, $0xb8;
	[tilespmem:$0x1E800] =	vst v63  }
0x6d: {  	s28 =	simm.s32 $0x80  }
0x6e: {  	[tilespmem:s18], [sflag:$0x2] =	stream.indirect.gather [hbm4b:s4+s16], $0x80, s28, s16, $0xb8;
	[tilespmem:$0x1E800] =	vst v63  }
0x6f: {  	_ =	swait.ge [sflag:s19], $0x4000  }
0x70: {  	[sflag:s19] =	ssyncset.done $0x0  }
0x71: {  	s29 =	simm.s32 $0x1400;
	[sflag:s19] =	ssyncadd.s32 $0xFFFFC000  }
0x72: {  	[spmem:s2] =	stream.indirect.scatter.add.f32 [tilespmem:s17], [sflag:$0x3], $0x80, s29, s16, $0xb8;
	[tilespmem:$0x1E800] =	vst v63  }
0x73: {  	_ =	swait.ge [sflag:s14], $0x4000  }
0x74: {  	[sflag:s14] =	ssyncset.done $0x0  }
0x75: {  	s30 =	simm.s32 $0x100;
	[sflag:s14] =	ssyncadd.s32 $0xFFFFC000  }
0x76: {  	[tilespmem:s17], [sflag:$0x1] =	stream.indirect.gather [hbm4b:s4+s16], $0x80, s30, s16, $0xb8;
	[tilespmem:$0x1E800] =	vst v63  }
0x77: {  	_ =	swait.ge [sflag:s20], $0x4000  }
0x78: {  	[sflag:s20] =	ssyncset.done $0x0  }
0x79: {  	s31 =	simm.s32 $0x1480;
	[sflag:s20] =	ssyncadd.s32 $0xFFFFC000  }
0x7a: {  	[spmem:s2] =	stream.indirect.scatter.add.f32 [tilespmem:s18], [sflag:$0x3], $0x80, s31, s16, $0xb8;
	[tilespmem:$0x1E800] =	vst v63  }
0x7b: {  	_ =	swait.ge [sflag:s14], $0x4000  }
0x7c: {  	s25 =	simm.s32 $0x100;
	s26 =	simm.s32 $0x800;
	[sflag:s14] =	ssyncset.done $0x0  }
.LBB2_4:
0x7d: {  	s28 =	sadd.s32 $0x80, s25  }
0x7e: {  	[sflag:s14] =	ssyncadd.s32 $0xFFFFC000;
	s29 =	smov.u32 s26;
	s30 =	sadd.s32 $0x400, s26  }
0x7f: {  	[tilespmem:s18], [sflag:$0x2] =	stream.indirect.gather [hbm4b:s4+s16], $0x80, s28, s16, $0xb8;
	[tilespmem:$0x1E800] =	vst v63  }
0x80: {  	p0 =	sne.s32 s26, $0x4800;
	_ =	swait.ge [sflag:s19], $0x4000  }
0x81: {  	[sflag:s19] =	ssyncset.done $0x0  }
0x82: {  	s26 =	sadd.s32 $0x1400, s25;
	[sflag:s19] =	ssyncadd.s32 $0xFFFFC000  }
0x83: {  	[spmem:s2] =	stream.indirect.scatter.add.f32 [tilespmem:s17], [sflag:$0x3], $0x80, s26, s16, $0xb8;
	[tilespmem:$0x1E800] =	vst v63  }
0x84: {  	_ =	swait.ge [sflag:s14], $0x4000  }
0x85: {  	[sflag:s14] =	ssyncset.done $0x0  }
0x86: {  	s26 =	sadd.s32 $0x100, s25;
	[sflag:s14] =	ssyncadd.s32 $0xFFFFC000  }
0x87: {  	[tilespmem:s17], [sflag:$0x1] =	stream.indirect.gather [hbm4b:s4+s16], $0x80, s26, s16, $0xb8;
	[tilespmem:$0x1E800] =	vst v63  }
0x88: {  	_ =	swait.ge [sflag:s20], $0x4000  }
.Ltmp1:
0x89: {  	[sflag:s20] =	ssyncset.done $0x0;
	(pc) =	sbr.rel @p0 .LBB2_4-.Ltmp1, $4  }
0x8a: {  	s25 =	sadd.s32 $0x1480, s25;
	[sflag:s20] =	ssyncadd.s32 $0xFFFFC000  }
0x8b: {  	[spmem:s2] =	stream.indirect.scatter.add.f32 [tilespmem:s18], [sflag:$0x3], $0x80, s25, s16, $0xb8;
	[tilespmem:$0x1E800] =	vst v63  }
0x8c: {  	_ =	swait.ge [sflag:s14], $0x4000  }
0x8d: {  	s26 =	smov.u32 s30;
	s25 =	sshra.s32 s29, $0x2;
	[sflag:s14] =	ssyncset.done $0x0  }
0x8e: {  	s26 =	sadd.s32 $0x80, s25;
	[sflag:s14] =	ssyncadd.s32 $0xFFFFC000  }
0x8f: {  	[tilespmem:s18], [sflag:$0x2] =	stream.indirect.gather [hbm4b:s4+s16], $0x80, s26, s16, $0xb8;
	[tilespmem:$0x1E800] =	vst v63  }
0x90: {  	_ =	swait.ge [sflag:s19], $0x4000  }
0x91: {  	[sflag:s19] =	ssyncset.done $0x0  }
0x92: {  	s29 =	sadd.s32 $0x1400, s25;
	[sflag:s19] =	ssyncadd.s32 $0xFFFFC000  }
0x93: {  	[spmem:s2] =	stream.indirect.scatter.add.f32 [tilespmem:s17], [sflag:$0x3], $0x80, s29, s16, $0xb8;
	[tilespmem:$0x1E800] =	vst v63  }
0x94: {  	_ =	swait.ge [sflag:s14], $0x4000  }
0x95: {  	[sflag:s14] =	ssyncset.done $0x0  }
0x96: {  	s30 =	sadd.s32 $0x100, s25;
	[sflag:s14] =	ssyncadd.s32 $0xFFFFC000  }
0x97: {  	[tilespmem:s17], [sflag:$0x1] =	stream.indirect.gather [hbm4b:s4+s16], $0x80, s30, s16, $0xb8;
	[tilespmem:$0x1E800] =	vst v63  }
0x98: {  	_ =	swait.ge [sflag:s20], $0x4000  }
0x99: {  	[sflag:s20] =	ssyncset.done $0x0  }
0x9a: {  	s31 =	sadd.s32 $0x1480, s25;
	[sflag:s20] =	ssyncadd.s32 $0xFFFFC000  }
0x9b: {  	[spmem:s2] =	stream.indirect.scatter.add.f32 [tilespmem:s18], [sflag:$0x3], $0x80, s31, s16, $0xb8;
	[tilespmem:$0x1E800] =	vst v63  }
0x9c: {  	_ =	swait.ge [sflag:s14], $0x4000  }
0x9d: {  	[sflag:s14] =	ssyncset.done $0x0  }
0x9e: {  	[sflag:s14] =	ssyncadd.s32 $0xFFFFC000  }
0x9f: {  	[tilespmem:s18], [sflag:$0x2] =	stream.indirect.gather [hbm4b:s4+s16], $0x80, s21, s16, $0xb8;
	[tilespmem:$0x1E800] =	vst v63  }
0xa0: {  	_ =	swait.ge [sflag:s19], $0x4000  }
0xa1: {  	[sflag:s19] =	ssyncset.done $0x0  }
0xa2: {  	[sflag:s19] =	ssyncadd.s32 $0xFFFFC000  }
0xa3: {  	[spmem:s2] =	stream.indirect.scatter.add.f32 [tilespmem:s17], [sflag:$0x3], $0x80, s22, s16, $0xb8;
	[tilespmem:$0x1E800] =	vst v63  }
0xa4: {  	_ =	swait.ge [sflag:s14], $0x4000  }
0xa5: {  	[sflag:s14] =	ssyncset.done $0x0  }
0xa6: {  	[sflag:s14] =	ssyncadd.s32 $0xFFFFC000  }
0xa7: {  	_ =	swait.ge [sflag:s20], $0x4000  }
0xa8: {  	[sflag:s20] =	ssyncset.done $0x0  }
0xa9: {  	[sflag:s20] =	ssyncadd.s32 $0xFFFFC000  }
0xaa: {  	[spmem:s2] =	stream.indirect.scatter.add.f32 [tilespmem:s18], [sflag:$0x3], $0x80, s23, s16, $0xb8;
	[tilespmem:$0x1E800] =	vst v63  }
0xab: {  	_ =	swait.ge [sflag:s14], $0x4000  }
0xac: {  	s24 =	sadd.s32 $0x1, s24;
	[sflag:s14] =	ssyncset.done $0x0  }
0xad: {  	p0 =	sne.s32 s24, s8;
	[sflag:s14] =	ssyncadd.s32 $0xFFFFC000  }
.Ltmp2:
0xae: {  	[bflag:$0x0] =	sbarrier.arrive $0xFFFF;
	(pc) =	sbr.rel @p0 .LBB2_1-.Ltmp2, $4  }
0xaf: {  	[hbm:s7], [sflag:s6] =	dma.local [spmem:s13], $0x2800  }
0xb0: {  	_ =	swait.ge [sflag:s14], $0x2800  }
0xb1: {  	[sflag:s14] =	ssyncset.done $0x0  }
0xb2: {  	[sflag:s14] =	ssyncadd.s32 $0xFFFFD800  }
0xb3: {  	_ =	sfence.sel $0x180000  }
0xb4: {  	[bflag:$0x0] =	sbarrier.arrive $0xFFFF  }
0xb5: {  	p0 =	sne.s32 s1, $0x0;
	_ =	strace $0x9000004A  }
0xb6: {  	s0 =	sadd.s32 @!p0 $0x100000, s0;
	[bflag:$0x2] =	sbarrier.arrive $0xFFFF  }
0xb7: {  	[sflag:s0] =	ssyncadd.tile.s32 @!p0 $0x1;
	_ =	shalt  }
.Lfunc_end2:
_tile_overlayer_lowered:
.L_overlay_start_2:
0xb8: {  	(tag) =	ssettag $0x2  }
0xb9: {  	s0 =	rddreg [dreg:$0x0];
	s2 =	stileid.u32  }
0xba: {  	s1 =	rddreg [dreg:$0x1];
	p0 =	sne.s32 s2, $0x0  }
0xbb: {  	s3 =	rddreg [dreg:$0x2];
	[bflag:$0x3] =	sbarrier.arrive $0xFFFF;
	s2 =	simm.s32 @!p0 $0x1C03  }
0xbc: {  	[timem:s3], [sflag:s2] =	dma.local @!p0 [hbm:s0], s1  }
0xbd: {  	s0 =	simm.s32 @!p0 $0x3  }
0xbe: {  	_ =	swait.ge @!p0 [sflag:s0], s1  }
0xbf: {  	s1 =	ssub.s32 @!p0 $0x0, s1;
	[sflag:s0] =	ssyncset.done @!p0 $0x0  }
0xc0: {  	[sflag:s0] =	ssyncadd.s32 @!p0 s1  }
0xc1: {  	[bflag:$0x3] =	sbarrier.arrive $0xFFFF  }
0xc2: {  	_ =	shalt  }

// kernel: kernel.16.cloned.1.call-start
scs
__scs_entry_jumppad:
0x0: {  	(pc) =	sbr.rel $0x88, $3  }
0x1: {  	(tag) =	ssettag $0x0;
	lr =	simm.s32 $0x1  }
0x2: {  	[smem:$0x3F97] =	sst lr;
	_ =	strace $0xD0000000  }
0x3: {  	_ = 	snop  }
0x4: {  	_ = 	snop  }
0x5: {  	_ = 	snop  }
0x6: {  	_ = 	snop  }
0x7: {  	_ = 	snop  }
__scs_overlays_trampoline_lowered:
0x8: {  	[smem:$0x3FA6] =	sst s0  }
0x9: {  	[smem:$0x3FA7] =	sst s1  }
0xa: {  	[smem:$0x3FA8] =	sst s2  }
0xb: {  	[smem:$0x3FA9] =	sst s3  }
0xc: {  	[smem:$0x3FAA] =	sst s4  }
0xd: {  	[smem:$0x3FAB] =	sst s5  }
0xe: {  	[smem:$0x3FAC] =	sst s6  }
0xf: {  	[smem:$0x3FAD] =	sst s7  }
0x10: {  	[smem:$0x3FAE] =	sst s8  }
0x11: {  	[smem:$0x3FAF] =	sst s9;
	s0 =	simm.s32 @!p0 $0x0  }
0x12: {  	s1 =	sld [smem:$0x3F95];
	s0 =	simm.s32 @p0 $0x1  }
0x13: {  	[smem:$0x3FB0] =	sst s0;
	s0 =	simm.s32 @!p1 $0x0  }
0x14: {  	s2 =	sld [smem:$0x3F94];
	s0 =	simm.s32 @p1 $0x1  }
0x15: {  	[smem:$0x3FB1] =	sst s0;
	s0 =	simm.s32 @!p2 $0x0  }
0x16: {  	s3 =	sld [smem:$0x3FDB];
	s0 =	simm.s32 @p2 $0x1  }
0x17: {  	s4 =	simm.s32 $0x1BF5;
	[smem:$0x3FB3] =	sst s0  }
0x18: {  	s0 =	sld [smem:$0x3F96];
	_ =	swait.ge [sflag:s4], $0x0  }
0x19: {  	s7 =	sld [smem:$0x3F97]  }
0x1a: {  	s8 =	sadd.s32 $0xFFFFE003, lr  }
0x1b: {  	s9 =	sadd.s32 $0xFFFFFEF7, lr;
	s5 =	simm.s32 $0xFFFFFFFF;
	p2 =	slt.u32 s8, $0xFFFFF086  }
0x1c: {  	p1 =	slt.u32 s9, $0xF7A;
	s5 =	simm.s32 @!p2 $0x0  }
0x1d: {  	s5 =	simm.s32 @p1 $0x1;
	p0 =	seq.s32 s7, s2  }
0x1e: {  	s7 =	smul.u32 @!p0 $0xF7A, s2;
	p2 =	seq.s32 @!p0 s5, $0x0  }
0x1f: {  	s9 =	smul.u32 $0xF7A, s1;
	s8 =	simm.s32 @!p0 $0x1BF5;
	p2 =	por !p2, p0  }
0x20: {  	[sflag:s8] =	ssyncset.s32 @!p0 $0xFFFFF086;
	s6 =	sadd.s32 @!p0 s3, s7;
	s7 =	simm.s32 @!p0 $0x108  }
0x21: {  	s3 =	sadd.s32 s3, s9;
	s6 =	sadd.s32 @!p0 $0x88, s6;
	s7 =	simm.s32 @p2 $0x1082  }
0x22: {  	[simem:s7], [sflag:s8] =	dma.local @!p0 [hbm:s6], $0xF7A  }
0x23: {  	s9 =	sor.u32 $0xD0000000, s2;
	s6 =	simm.s32 $0x108;
	_ =	swait.ge @!p0 [sflag:s8], $0x0  }
0x24: {  	s3 =	sadd.s32 $0x88, s3;
	s6 =	simm.s32 @!p1 $0x1082;
	[sflag:s4] =	ssyncset.s32 $0xFFFFF086  }
0x25: {  	[simem:s6], [sflag:s4] =	dma.local [hbm:s3], $0xF7A  }
0x26: {  	[smem:$0x3F97] =	sst s1;
	(tag) =	ssettag s2;
	_ =	strace s9  }
0x27: {  	s1 =	sld [smem:$0x3FA7]  }
0x28: {  	s2 =	sld [smem:$0x3FA8]  }
0x29: {  	s4 =	sld [smem:$0x3FAA]  }
0x2a: {  	p0 =	seq.s32 s5, $0x0;
	s5 =	sld [smem:$0x3FAB]  }
0x2b: {  	s6 =	sld [smem:$0x3FAC]  }
0x2c: {  	s7 =	sld [smem:$0x3FAD]  }
0x2d: {  	s3 =	simm.s32 $0x108;
	s8 =	sld [smem:$0x3FAE]  }
0x2e: {  	s3 =	simm.s32 @!p0 $0x1082;
	s9 =	sld [smem:$0x3FAF]  }
0x2f: {  	lr =	sadd.s32 s0, s3;
	s0 =	sld [smem:$0x3FA6]  }
0x30: {  	s3 =	sld [smem:$0x3FA9]  }
0x31: {  	[smem:$0x3FB2] =	sst s10  }
0x32: {  	s10 =	sld [smem:$0x3FB0];
	_ =	sdelay $0x3  }
0x33: {  	p0 =	seq.s32 s10, $0x1;
	s10 =	sld [smem:$0x3FB2];
	_ =	sdelay $0x3  }
0x34: {  	[smem:$0x3FB2] =	sst s10  }
0x35: {  	s10 =	sld [smem:$0x3FB1];
	_ =	sdelay $0x3  }
0x36: {  	p1 =	seq.s32 s10, $0x1;
	s10 =	sld [smem:$0x3FB2];
	_ =	sdelay $0x3  }
0x37: {  	[smem:$0x3FB2] =	sst s10  }
0x38: {  	s10 =	sld [smem:$0x3FB3]  }
0x39: {  	_ = 	snop;
	(pc) =	sbr.ind lr, $3  }
0x3a: {  	_ = 	snop  }
0x3b: {  	_ = 	snop  }
0x3c: {  	p2 =	seq.s32 s10, $0x1;
	s10 =	sld [smem:$0x3FB2]  }
0x3d: {  	_ =	shalt  }
0x3e: {  	_ =	shalt  }
0x3f: {  	_ =	shalt  }
0x40: {  	_ =	shalt  }
0x41: {  	_ =	shalt  }
0x42: {  	_ =	shalt  }
0x43: {  	_ =	shalt  }
0x44: {  	_ =	shalt  }
0x45: {  	_ =	shalt  }
0x46: {  	_ =	shalt  }
0x47: {  	_ =	shalt  }
0x48: {  	_ =	shalt  }
0x49: {  	_ =	shalt  }
0x4a: {  	_ =	shalt  }
0x4b: {  	_ =	shalt  }
0x4c: {  	_ =	shalt  }
0x4d: {  	_ =	shalt  }
0x4e: {  	_ =	shalt  }
0x4f: {  	_ =	shalt  }
0x50: {  	_ =	shalt  }
0x51: {  	_ =	shalt  }
0x52: {  	_ =	shalt  }
0x53: {  	_ =	shalt  }
0x54: {  	_ =	shalt  }
0x55: {  	_ =	shalt  }
0x56: {  	_ =	shalt  }
0x57: {  	_ =	shalt  }
0x58: {  	_ =	shalt  }
0x59: {  	_ =	shalt  }
0x5a: {  	_ =	shalt  }
0x5b: {  	_ =	shalt  }
0x5c: {  	_ =	shalt  }
0x5d: {  	_ =	shalt  }
0x5e: {  	_ =	shalt  }
0x5f: {  	_ =	shalt  }
0x60: {  	_ =	shalt  }
0x61: {  	_ =	shalt  }
0x62: {  	_ =	shalt  }
0x63: {  	_ =	shalt  }
0x64: {  	_ =	shalt  }
0x65: {  	_ =	shalt  }
0x66: {  	_ =	shalt  }
0x67: {  	_ =	shalt  }
0x68: {  	_ =	shalt  }
0x69: {  	_ =	shalt  }
0x6a: {  	_ =	shalt  }
0x6b: {  	_ =	shalt  }
0x6c: {  	_ =	shalt  }
0x6d: {  	_ =	shalt  }
0x6e: {  	_ =	shalt  }
0x6f: {  	_ =	shalt  }
0x70: {  	_ =	shalt  }
0x71: {  	_ =	shalt  }
0x72: {  	_ =	shalt  }
0x73: {  	_ =	shalt  }
0x74: {  	_ =	shalt  }
0x75: {  	_ =	shalt  }
0x76: {  	_ =	shalt  }
0x77: {  	_ =	shalt  }
0x78: {  	_ =	shalt  }
0x79: {  	_ =	shalt  }
0x7a: {  	_ =	shalt  }
0x7b: {  	_ =	shalt  }
0x7c: {  	_ =	shalt  }
0x7d: {  	_ =	shalt  }
0x7e: {  	_ =	shalt  }
0x7f: {  	_ =	shalt  }
0x80: {  	_ =	shalt  }
0x81: {  	_ =	shalt  }
0x82: {  	_ =	shalt  }
0x83: {  	_ =	shalt  }
0x84: {  	_ =	shalt  }
0x85: {  	_ =	shalt  }
0x86: {  	_ =	shalt  }
0x87: {  	_ =	shalt  }
.Lfunc_end0:
.L_simem_size_0:
called_computation.2_lowered:
.L_overlay_start_0:
0x88: {  	s2 =	sld [smem:$0x3FD9]  }
0x89: {  	s3 =	sld [smem:$0x3FFE];
	_ =	sdelay $0x1  }
0x8a: {  	s1 =	srdreg.scid  }
0x8b: {  	s0 =	sand.u32 $0x1, s1  }
0x8c: {  	s17 =	sshll.u32 s0, $0xA;
	s2 =	sadd.s32 s3, s2  }
0x8d: {  	s2 =	sadd.s32 s2, s17  }
0x8e: {  	[smem:$0x3FBE] =	sst s2  }
0x8f: {  	_ = 	snop  }
0x90: {  	s2 =	sld [smem:$0x3FD0];
	(tm) =	ssettm $0x1  }
0x91: {  	s18 =	sld [smem:$0x3FFB];
	_ =	sdelay $0x3  }
0x92: {  	_ =	strace s18  }
0x93: {  	s3 =	sld [smem:$0x3FFC];
	_ =	sdelay $0x3  }
0x94: {  	_ =	strace s3  }
0x95: {  	s3 =	sld [smem:$0x3FFD];
	_ =	sdelay $0x3  }
0x96: {  	_ =	strace s3  }
0x97: {  	_ =	strace $0x8FFFFFFF  }
0x98: {  	s19 =	sld [smem:$0x3FDB];
	_ =	sdelay $0x1  }
0x99: {  	s4 =	simm.s32 $_scs_section_size  }
0x9a: {  	s5 =	simm.s32 $_size__tile_overlayer_lowered;
	s6 =	simm.s32 $_tile_overlayer_lowered  }
0x9b: {  	s22 =	simm.s32 $0x1BFF;
	s21 =	sshll.u32 s6, $0x1;
	s3 =	sadd.s32 s4, s19  }
0x9c: {  	s7 =	simm.s32 $0x0;
	s20 =	sshll.u32 s5, $0x1;
	s5 =	sadd.s32 s21, s3  }
0x9d: {  	[timem:s7], [sflag:s22] =	dma.local [hbm:s5], s20  }
0x9e: {  	_ =	swait.ge [sflag:s22], s20  }
0x9f: {  	s4 =	ssub.s32 $0x0, s20;
	[sflag:s22] =	ssyncset.done $0x0  }
0xa0: {  	[sflag:s22] =	ssyncadd.s32 s4;
	_ =	sdelay $0x1  }
0xa1: {  	s23 =	simm.s32 $0x1B8B  }
0xa2: {  	_ =	swait.ge [sflag:s23], $0x1  }
0xa3: {  	[sflag:s23] =	ssyncset.done $0x0  }
0xa4: {  	s25 =	simm.s32 $0x1B8E;
	s24 =	sld [smem:$0x3FFE];
	[sflag:s23] =	ssyncadd.s32 $0xFFFFFFFF  }
0xa5: {  	s26 =	simm.s32 $execute0_lowered;
	[smem:$0x3FD2] =	sst s25  }
0xa6: {  	s5 =	sshll.u32 s26, $0x1;
	_ =	strace $0x8000004C;
	[dreg:$0x1] =	wrdreg $0xFFFFFFFF  }
0xa7: {  	s28 =	simm.s32 $_size_execute0_lowered;
	s3 =	sadd.s32 s3, s5;
	[dreg:$0x0] =	wrdreg $0x0  }
0xa8: {  	s5 =	sshll.u32 s28, $0x1;
	[dreg:$0x2] =	wrdreg s3  }
0xa9: {  	[dreg:$0x3] =	wrdreg s5  }
0xaa: {  	[dreg:$0x4] =	wrdreg $0xC0  }
0xab: {  	_ =	task [dreg:s7], $0x5FFFF  }
0xac: {  	[dreg:$0x1] =	wrdreg $0xFFFFFFFF  }
0xad: {  	[dreg:$0x0] =	wrdreg $0x60  }
0xae: {  	[dreg:$0x2] =	wrdreg s24  }
0xaf: {  	[dreg:$0x3] =	wrdreg s2  }
0xb0: {  	[dreg:$0x4] =	wrdreg $0xA8000  }
0xb1: {  	[dreg:$0x5] =	wrdreg $0x9  }
0xb2: {  	_ =	task.clear_ibuf [dreg:s7], $0x6FFFF;
	_ =	strace $0x9000004C  }
0xb3: {  	s29 =	simm.s32 $0x9;
	_ =	strace $0x8000004E  }
0xb4: {  	_ =	swait.ge [sflag:s29], $0x1  }
0xb5: {  	[sflag:s29] =	ssyncadd.s32 $0xFFFFFFFF  }
0xb6: {  	_ =	strace $0x9000004E  }
0xb7: {  	_ =	sfence  }
0xb8: {  	s30 =	sld [smem:$0x0];
	_ =	sdelay $0x2  }
0xb9: {  	s31 =	sshll.u32 s1, $0xD;
	s1 =	sshrl.u32 s1, $0x2  }
0xba: {  	s3 =	sand.u32 $0x4000, s31;
	s1 =	sadd.s32 s1, s30  }
0xbb: {  	s0 =	sor.u32 s3, s0;
	s1 =	sshll.u32 s1, $0x11  }
0xbc: {  	s0 =	sor.u32 s1, s0  }
0xbd: {  	s0 =	sadd.s32 $0x8F2B, s0  }
0xbe: {  	[sflag:s0] =	ssyncadd.remote.s32 $0x1  }
0xbf: {  	_ =	sfence.sel $0xFFFF  }
0xc0: {  	[dreg:$0x0] =	wrdreg $0xFFFFFFFF;
	(pc) =	sbr.abs _section_cstart, $3  }
0xc1: {  	[dreg:$0x1] =	wrdreg $0xFFFFFFFF  }
0xc2: {  	_ =	task.clear_ibuf [dreg:s7], $0x2FFFF;
	_ =	strace $0x9FFFFFFF  }
0xc3: {  	(tm) =	ssettm $0x7FFFFFFF  }
tec
execute0_lowered:
.L_overlay_start_1:
0x0: {  	(tag) =	ssettag $0x1  }
0x1: {  	s5 =	rddreg [dreg:$0x0]  }
0x2: {  	s11 =	rddreg [dreg:$0x1]  }
0x3: {  	s2 =	rddreg [dreg:$0x2]  }
0x4: {  	s0 =	rddreg [dreg:$0x3]  }
0x5: {  	s1 =	stileid.u32;
	s4 =	srdreg.scid  }
0x6: {  	s3 =	simm.s32 $0x0;
	s15 =	simm.s32 $0x1400;
	s16 =	simm.s32 $0x80  }
0x7: {  	s17 =	simm.s32 $0x2800;
	s18 =	simm.s32 $0x6800;
	s19 =	simm.s32 $0x1  }
0x8: {  	s20 =	simm.s32 $0x2;
	s21 =	simm.s32 $0x1380;
	s22 =	simm.s32 $0x2700  }
0x9: {  	s6 =	smul.u32 $0x14000, s1;
	s7 =	sand.u32 $0x1, s4;
	[smem:$0x7FF] =	sst s3  }
0xa: {  	s4 =	sadd.s32 $0xD000, s5;
	s12 =	sadd.s32 $0x3000, s5;
	s10 =	smul.u32 $0x50000, s1  }
0xb: {  	s30 =	sshll.u32 s1, $0x6;
	s8 =	smul.u32 $0x140000, s7;
	_ =	strace $0x8000004D  }
0xc: {  	s24 =	ssub.s32 $0x2, s7;
	s7 =	sshll.u32 s7, $0x4;
	s9 =	sshrl.u32 s6, $0x3  }
0xd: {  	s25 =	sshrl.u32 s24, $0x1;
	s26 =	sor.u32 s1, s7;
	s28 =	sshrl.u32 s10, $0x2  }
0xe: {  	s6 =	sadd.s32 s6, s8;
	s23 =	sadd.s32 s9, s5;
	s9 =	ssub.s32 s24, s25  }
0xf: {  	s29 =	smul.u32 $0x2800, s26;
	s14 =	sadd.s32 s28, s2;
	s6 =	sshrl.u32 s6, $0x3  }
0x10: {  	s24 =	simm.s32 $0x0;
	s8 =	smax.u32 s9, $0x1;
	s13 =	sadd.s32 s6, s5  }
0x11: {  	s5 =	sadd.s32 $0x35000, s23;
	s6 =	sor.u32 $0x1C03, s30;
	s10 =	sshrl.u32 s29, $0x3  }
0x12: {  	s23 =	simm.s32 $0x2780;
	s7 =	sadd.s32 $0x5D000, s13;
	s9 =	sadd.s32 s11, s10  }
0x13: {  	s31 =	sadd.s32 $0x280, s10;
	s10 =	sadd.s32 s12, s10;
	s13 =	sshrl.u32 s14, $0x3  }
0x14: {  	s14 =	simm.s32 $0x3;
	s11 =	sadd.s32 s11, s31;
	s12 =	sadd.s32 s12, s31  }
.LBB2_1:
0x15: {  	[spmem:s13], [sflag:s6] =	dma.local [hbm:s5], $0x2800  }
0x16: {  	_ =	swait.ge [sflag:s14], $0x2800  }
0x17: {  	[sflag:s14] =	ssyncset.done $0x0  }
0x18: {  	[sflag:s14] =	ssyncadd.s32 $0xFFFFD800  }
0x19: {  	[bflag:$0x0] =	sbarrier.arrive $0xFFFF  }
0x1a: {  	[tilespmem:s3], [sflag:$0x3] =	stream.linear.gather [hbm4b:s9+s3], $0x1400, $0x38;
	[tilespmem:$0x1E800] =	vst v63  }
0x1b: {  	_ =	swait.ge [sflag:s14], $0x1400  }
0x1c: {  	[sflag:s14] =	ssyncset.done $0x0  }
0x1d: {  	[sflag:s14] =	ssyncadd.s32 $0xFFFFEC00  }
0x1e: {  	[tilespmem:s15], [sflag:$0x3] =	stream.linear.gather [hbm4b:s10+s3], $0x1400, $0x38;
	[tilespmem:$0x1E800] =	vst v63  }
0x1f: {  	_ =	swait.ge [sflag:s14], $0x1400  }
0x20: {  	[sflag:s14] =	ssyncset.done $0x0  }
0x21: {  	[sflag:s14] =	ssyncadd.s32 $0xFFFFEC00  }
0x22: {  	[tilespmem:s17], [sflag:$0x1] =	stream.indirect.gather [hbm4b:s4+s16], $0x80, s3, s16, $0xb8;
	[tilespmem:$0x1E800] =	vst v63  }
0x23: {  	s25 =	simm.s32 $0x80  }
0x24: {  	[tilespmem:s18], [sflag:$0x2] =	stream.indirect.gather [hbm4b:s4+s16], $0x80, s25, s16, $0xb8;
	[tilespmem:$0x1E800] =	vst v63  }
0x25: {  	_ =	swait.ge [sflag:s19], $0x4000  }
0x26: {  	[sflag:s19] =	ssyncset.done $0x0  }
0x27: {  	s29 =	simm.s32 $0x1400;
	[sflag:s19] =	ssyncadd.s32 $0xFFFFC000  }
0x28: {  	[spmem:s2] =	stream.indirect.scatter.add.f32 [tilespmem:s17], [sflag:$0x3], $0x80, s29, s16, $0xb8;
	[tilespmem:$0x1E800] =	vst v63  }
0x29: {  	_ =	swait.ge [sflag:s14], $0x4000  }
0x2a: {  	[sflag:s14] =	ssyncset.done $0x0  }
0x2b: {  	s30 =	simm.s32 $0x100;
	[sflag:s14] =	ssyncadd.s32 $0xFFFFC000  }
0x2c: {  	[tilespmem:s17], [sflag:$0x1] =	stream.indirect.gather [hbm4b:s4+s16], $0x80, s30, s16, $0xb8;
	[tilespmem:$0x1E800] =	vst v63  }
0x2d: {  	_ =	swait.ge [sflag:s20], $0x4000  }
0x2e: {  	[sflag:s20] =	ssyncset.done $0x0  }
0x2f: {  	s31 =	simm.s32 $0x1480;
	[sflag:s20] =	ssyncadd.s32 $0xFFFFC000  }
0x30: {  	[spmem:s2] =	stream.indirect.scatter.add.f32 [tilespmem:s18], [sflag:$0x3], $0x80, s31, s16, $0xb8;
	[tilespmem:$0x1E800] =	vst v63  }
0x31: {  	_ =	swait.ge [sflag:s14], $0x4000  }
0x32: {  	s26 =	simm.s32 $0x800;
	s25 =	simm.s32 $0x100;
	[sflag:s14] =	ssyncset.done $0x0  }
.LBB2_2:
0x33: {  	s28 =	sadd.s32 $0x80, s25  }
0x34: {  	[sflag:s14] =	ssyncadd.s32 $0xFFFFC000;
	s29 =	smov.u32 s26;
	s30 =	sadd.s32 $0x400, s26  }
0x35: {  	[tilespmem:s18], [sflag:$0x2] =	stream.indirect.gather [hbm4b:s4+s16], $0x80, s28, s16, $0xb8;
	[tilespmem:$0x1E800] =	vst v63  }
0x36: {  	p0 =	sne.s32 s26, $0x4800;
	_ =	swait.ge [sflag:s19], $0x4000  }
0x37: {  	[sflag:s19] =	ssyncset.done $0x0  }
0x38: {  	s26 =	sadd.s32 $0x1400, s25;
	[sflag:s19] =	ssyncadd.s32 $0xFFFFC000  }
0x39: {  	[spmem:s2] =	stream.indirect.scatter.add.f32 [tilespmem:s17], [sflag:$0x3], $0x80, s26, s16, $0xb8;
	[tilespmem:$0x1E800] =	vst v63  }
0x3a: {  	_ =	swait.ge [sflag:s14], $0x4000  }
0x3b: {  	[sflag:s14] =	ssyncset.done $0x0  }
0x3c: {  	s26 =	sadd.s32 $0x100, s25;
	[sflag:s14] =	ssyncadd.s32 $0xFFFFC000  }
0x3d: {  	[tilespmem:s17], [sflag:$0x1] =	stream.indirect.gather [hbm4b:s4+s16], $0x80, s26, s16, $0xb8;
	[tilespmem:$0x1E800] =	vst v63  }
0x3e: {  	_ =	swait.ge [sflag:s20], $0x4000  }
.Ltmp0:
0x3f: {  	[sflag:s20] =	ssyncset.done $0x0;
	(pc) =	sbr.rel @p0 .LBB2_2-.Ltmp0, $4  }
0x40: {  	s25 =	sadd.s32 $0x1480, s25;
	[sflag:s20] =	ssyncadd.s32 $0xFFFFC000  }
0x41: {  	[spmem:s2] =	stream.indirect.scatter.add.f32 [tilespmem:s18], [sflag:$0x3], $0x80, s25, s16, $0xb8;
	[tilespmem:$0x1E800] =	vst v63  }
0x42: {  	_ =	swait.ge [sflag:s14], $0x4000  }
0x43: {  	s26 =	smov.u32 s30;
	s25 =	sshra.s32 s29, $0x2;
	[sflag:s14] =	ssyncset.done $0x0  }
0x44: {  	s26 =	sadd.s32 $0x80, s25;
	[sflag:s14] =	ssyncadd.s32 $0xFFFFC000  }
0x45: {  	[tilespmem:s18], [sflag:$0x2] =	stream.indirect.gather [hbm4b:s4+s16], $0x80, s26, s16, $0xb8;
	[tilespmem:$0x1E800] =	vst v63  }
0x46: {  	_ =	swait.ge [sflag:s19], $0x4000  }
0x47: {  	[sflag:s19] =	ssyncset.done $0x0  }
0x48: {  	s29 =	sadd.s32 $0x1400, s25;
	[sflag:s19] =	ssyncadd.s32 $0xFFFFC000  }
0x49: {  	[spmem:s2] =	stream.indirect.scatter.add.f32 [tilespmem:s17], [sflag:$0x3], $0x80, s29, s16, $0xb8;
	[tilespmem:$0x1E800] =	vst v63  }
0x4a: {  	_ =	swait.ge [sflag:s14], $0x4000  }
0x4b: {  	[sflag:s14] =	ssyncset.done $0x0  }
0x4c: {  	s30 =	sadd.s32 $0x100, s25;
	[sflag:s14] =	ssyncadd.s32 $0xFFFFC000  }
0x4d: {  	[tilespmem:s17], [sflag:$0x1] =	stream.indirect.gather [hbm4b:s4+s16], $0x80, s30, s16, $0xb8;
	[tilespmem:$0x1E800] =	vst v63  }
0x4e: {  	_ =	swait.ge [sflag:s20], $0x4000  }
0x4f: {  	[sflag:s20] =	ssyncset.done $0x0  }
0x50: {  	s31 =	sadd.s32 $0x1480, s25;
	[sflag:s20] =	ssyncadd.s32 $0xFFFFC000  }
0x51: {  	[spmem:s2] =	stream.indirect.scatter.add.f32 [tilespmem:s18], [sflag:$0x3], $0x80, s31, s16, $0xb8;
	[tilespmem:$0x1E800] =	vst v63  }
0x52: {  	_ =	swait.ge [sflag:s14], $0x4000  }
0x53: {  	[sflag:s14] =	ssyncset.done $0x0  }
0x54: {  	[sflag:s14] =	ssyncadd.s32 $0xFFFFC000  }
0x55: {  	[tilespmem:s18], [sflag:$0x2] =	stream.indirect.gather [hbm4b:s4+s16], $0x80, s21, s16, $0xb8;
	[tilespmem:$0x1E800] =	vst v63  }
0x56: {  	_ =	swait.ge [sflag:s19], $0x4000  }
0x57: {  	[sflag:s19] =	ssyncset.done $0x0  }
0x58: {  	[sflag:s19] =	ssyncadd.s32 $0xFFFFC000  }
0x59: {  	[spmem:s2] =	stream.indirect.scatter.add.f32 [tilespmem:s17], [sflag:$0x3], $0x80, s22, s16, $0xb8;
	[tilespmem:$0x1E800] =	vst v63  }
0x5a: {  	_ =	swait.ge [sflag:s14], $0x4000  }
0x5b: {  	[sflag:s14] =	ssyncset.done $0x0  }
0x5c: {  	[sflag:s14] =	ssyncadd.s32 $0xFFFFC000  }
0x5d: {  	_ =	swait.ge [sflag:s20], $0x4000  }
0x5e: {  	[sflag:s20] =	ssyncset.done $0x0  }
0x5f: {  	[sflag:s20] =	ssyncadd.s32 $0xFFFFC000  }
0x60: {  	[spmem:s2] =	stream.indirect.scatter.add.f32 [tilespmem:s18], [sflag:$0x3], $0x80, s23, s16, $0xb8;
	[tilespmem:$0x1E800] =	vst v63  }
0x61: {  	_ =	swait.ge [sflag:s14], $0x4000  }
0x62: {  	[sflag:s14] =	ssyncset.done $0x0  }
0x63: {  	s26 =	simm.s32 $0x0;
	[sflag:s14] =	ssyncadd.s32 $0xFFFFC000  }
0x64: {  	[tilespmem:s26], [sflag:$0x3] =	stream.linear.gather [hbm4b:s11+s26], $0x1400, $0x38;
	[tilespmem:$0x1E800] =	vst v63  }
0x65: {  	_ =	swait.ge [sflag:s14], $0x1400  }
0x66: {  	[sflag:s14] =	ssyncset.done $0x0  }
0x67: {  	[sflag:s14] =	ssyncadd.s32 $0xFFFFEC00  }
0x68: {  	[tilespmem:s15], [sflag:$0x3] =	stream.linear.gather [hbm4b:s12+s26], $0x1400, $0x38;
	[tilespmem:$0x1E800] =	vst v63  }
0x69: {  	_ =	swait.ge [sflag:s14], $0x1400  }
0x6a: {  	[sflag:s14] =	ssyncset.done $0x0  }
0x6b: {  	[sflag:s14] =	ssyncadd.s32 $0xFFFFEC00  }
0x6c: {  	[tilespmem:s17], [sflag:$0x1] =	stream.indirect.gather [hbm4b:s4+s16], $0x80, s26, s16, $0xb8;
	[tilespmem:$0x1E800] =	vst v63  }
0x6d: {  	s28 =	simm.s32 $0x80  }
0x6e: {  	[tilespmem:s18], [sflag:$0x2] =	stream.indirect.gather [hbm4b:s4+s16], $0x80, s28, s16, $0xb8;
	[tilespmem:$0x1E800] =	vst v63  }
0x6f: {  	_ =	swait.ge [sflag:s19], $0x4000  }
0x70: {  	[sflag:s19] =	ssyncset.done $0x0  }
0x71: {  	s29 =	simm.s32 $0x1400;
	[sflag:s19] =	ssyncadd.s32 $0xFFFFC000  }
0x72: {  	[spmem:s2] =	stream.indirect.scatter.add.f32 [tilespmem:s17], [sflag:$0x3], $0x80, s29, s16, $0xb8;
	[tilespmem:$0x1E800] =	vst v63  }
0x73: {  	_ =	swait.ge [sflag:s14], $0x4000  }
0x74: {  	[sflag:s14] =	ssyncset.done $0x0  }
0x75: {  	s30 =	simm.s32 $0x100;
	[sflag:s14] =	ssyncadd.s32 $0xFFFFC000  }
0x76: {  	[tilespmem:s17], [sflag:$0x1] =	stream.indirect.gather [hbm4b:s4+s16], $0x80, s30, s16, $0xb8;
	[tilespmem:$0x1E800] =	vst v63  }
0x77: {  	_ =	swait.ge [sflag:s20], $0x4000  }
0x78: {  	[sflag:s20] =	ssyncset.done $0x0  }
0x79: {  	s31 =	simm.s32 $0x1480;
	[sflag:s20] =	ssyncadd.s32 $0xFFFFC000  }
0x7a: {  	[spmem:s2] =	stream.indirect.scatter.add.f32 [tilespmem:s18], [sflag:$0x3], $0x80, s31, s16, $0xb8;
	[tilespmem:$0x1E800] =	vst v63  }
0x7b: {  	_ =	swait.ge [sflag:s14], $0x4000  }
0x7c: {  	s25 =	simm.s32 $0x100;
	s26 =	simm.s32 $0x800;
	[sflag:s14] =	ssyncset.done $0x0  }
.LBB2_4:
0x7d: {  	s28 =	sadd.s32 $0x80, s25  }
0x7e: {  	[sflag:s14] =	ssyncadd.s32 $0xFFFFC000;
	s29 =	smov.u32 s26;
	s30 =	sadd.s32 $0x400, s26  }
0x7f: {  	[tilespmem:s18], [sflag:$0x2] =	stream.indirect.gather [hbm4b:s4+s16], $0x80, s28, s16, $0xb8;
	[tilespmem:$0x1E800] =	vst v63  }
0x80: {  	p0 =	sne.s32 s26, $0x4800;
	_ =	swait.ge [sflag:s19], $0x4000  }
0x81: {  	[sflag:s19] =	ssyncset.done $0x0  }
0x82: {  	s26 =	sadd.s32 $0x1400, s25;
	[sflag:s19] =	ssyncadd.s32 $0xFFFFC000  }
0x83: {  	[spmem:s2] =	stream.indirect.scatter.add.f32 [tilespmem:s17], [sflag:$0x3], $0x80, s26, s16, $0xb8;
	[tilespmem:$0x1E800] =	vst v63  }
0x84: {  	_ =	swait.ge [sflag:s14], $0x4000  }
0x85: {  	[sflag:s14] =	ssyncset.done $0x0  }
0x86: {  	s26 =	sadd.s32 $0x100, s25;
	[sflag:s14] =	ssyncadd.s32 $0xFFFFC000  }
0x87: {  	[tilespmem:s17], [sflag:$0x1] =	stream.indirect.gather [hbm4b:s4+s16], $0x80, s26, s16, $0xb8;
	[tilespmem:$0x1E800] =	vst v63  }
0x88: {  	_ =	swait.ge [sflag:s20], $0x4000  }
.Ltmp1:
0x89: {  	[sflag:s20] =	ssyncset.done $0x0;
	(pc) =	sbr.rel @p0 .LBB2_4-.Ltmp1, $4  }
0x8a: {  	s25 =	sadd.s32 $0x1480, s25;
	[sflag:s20] =	ssyncadd.s32 $0xFFFFC000  }
0x8b: {  	[spmem:s2] =	stream.indirect.scatter.add.f32 [tilespmem:s18], [sflag:$0x3], $0x80, s25, s16, $0xb8;
	[tilespmem:$0x1E800] =	vst v63  }
0x8c: {  	_ =	swait.ge [sflag:s14], $0x4000  }
0x8d: {  	s26 =	smov.u32 s30;
	s25 =	sshra.s32 s29, $0x2;
	[sflag:s14] =	ssyncset.done $0x0  }
0x8e: {  	s26 =	sadd.s32 $0x80, s25;
	[sflag:s14] =	ssyncadd.s32 $0xFFFFC000  }
0x8f: {  	[tilespmem:s18], [sflag:$0x2] =	stream.indirect.gather [hbm4b:s4+s16], $0x80, s26, s16, $0xb8;
	[tilespmem:$0x1E800] =	vst v63  }
0x90: {  	_ =	swait.ge [sflag:s19], $0x4000  }
0x91: {  	[sflag:s19] =	ssyncset.done $0x0  }
0x92: {  	s29 =	sadd.s32 $0x1400, s25;
	[sflag:s19] =	ssyncadd.s32 $0xFFFFC000  }
0x93: {  	[spmem:s2] =	stream.indirect.scatter.add.f32 [tilespmem:s17], [sflag:$0x3], $0x80, s29, s16, $0xb8;
	[tilespmem:$0x1E800] =	vst v63  }
0x94: {  	_ =	swait.ge [sflag:s14], $0x4000  }
0x95: {  	[sflag:s14] =	ssyncset.done $0x0  }
0x96: {  	s30 =	sadd.s32 $0x100, s25;
	[sflag:s14] =	ssyncadd.s32 $0xFFFFC000  }
0x97: {  	[tilespmem:s17], [sflag:$0x1] =	stream.indirect.gather [hbm4b:s4+s16], $0x80, s30, s16, $0xb8;
	[tilespmem:$0x1E800] =	vst v63  }
0x98: {  	_ =	swait.ge [sflag:s20], $0x4000  }
0x99: {  	[sflag:s20] =	ssyncset.done $0x0  }
0x9a: {  	s31 =	sadd.s32 $0x1480, s25;
	[sflag:s20] =	ssyncadd.s32 $0xFFFFC000  }
0x9b: {  	[spmem:s2] =	stream.indirect.scatter.add.f32 [tilespmem:s18], [sflag:$0x3], $0x80, s31, s16, $0xb8;
	[tilespmem:$0x1E800] =	vst v63  }
0x9c: {  	_ =	swait.ge [sflag:s14], $0x4000  }
0x9d: {  	[sflag:s14] =	ssyncset.done $0x0  }
0x9e: {  	[sflag:s14] =	ssyncadd.s32 $0xFFFFC000  }
0x9f: {  	[tilespmem:s18], [sflag:$0x2] =	stream.indirect.gather [hbm4b:s4+s16], $0x80, s21, s16, $0xb8;
	[tilespmem:$0x1E800] =	vst v63  }
0xa0: {  	_ =	swait.ge [sflag:s19], $0x4000  }
0xa1: {  	[sflag:s19] =	ssyncset.done $0x0  }
0xa2: {  	[sflag:s19] =	ssyncadd.s32 $0xFFFFC000  }
0xa3: {  	[spmem:s2] =	stream.indirect.scatter.add.f32 [tilespmem:s17], [sflag:$0x3], $0x80, s22, s16, $0xb8;
	[tilespmem:$0x1E800] =	vst v63  }
0xa4: {  	_ =	swait.ge [sflag:s14], $0x4000  }
0xa5: {  	[sflag:s14] =	ssyncset.done $0x0  }
0xa6: {  	[sflag:s14] =	ssyncadd.s32 $0xFFFFC000  }
0xa7: {  	_ =	swait.ge [sflag:s20], $0x4000  }
0xa8: {  	[sflag:s20] =	ssyncset.done $0x0  }
0xa9: {  	[sflag:s20] =	ssyncadd.s32 $0xFFFFC000  }
0xaa: {  	[spmem:s2] =	stream.indirect.scatter.add.f32 [tilespmem:s18], [sflag:$0x3], $0x80, s23, s16, $0xb8;
	[tilespmem:$0x1E800] =	vst v63  }
0xab: {  	_ =	swait.ge [sflag:s14], $0x4000  }
0xac: {  	s24 =	sadd.s32 $0x1, s24;
	[sflag:s14] =	ssyncset.done $0x0  }
0xad: {  	p0 =	sne.s32 s24, s8;
	[sflag:s14] =	ssyncadd.s32 $0xFFFFC000  }
.Ltmp2:
0xae: {  	[bflag:$0x0] =	sbarrier.arrive $0xFFFF;
	(pc) =	sbr.rel @p0 .LBB2_1-.Ltmp2, $4  }
0xaf: {  	[hbm:s7], [sflag:s6] =	dma.local [spmem:s13], $0x2800  }
0xb0: {  	_ =	swait.ge [sflag:s14], $0x2800  }
0xb1: {  	[sflag:s14] =	ssyncset.done $0x0  }
0xb2: {  	[sflag:s14] =	ssyncadd.s32 $0xFFFFD800  }
0xb3: {  	_ =	sfence.sel $0x180000  }
0xb4: {  	[bflag:$0x0] =	sbarrier.arrive $0xFFFF  }
0xb5: {  	p0 =	sne.s32 s1, $0x0;
	_ =	strace $0x9000004D  }
0xb6: {  	s0 =	sadd.s32 @!p0 $0x100000, s0;
	[bflag:$0x2] =	sbarrier.arrive $0xFFFF  }
0xb7: {  	[sflag:s0] =	ssyncadd.tile.s32 @!p0 $0x1;
	_ =	shalt  }
.Lfunc_end2:
_tile_overlayer_lowered:
.L_overlay_start_2:
0xb8: {  	(tag) =	ssettag $0x2  }
0xb9: {  	s0 =	rddreg [dreg:$0x0];
	s2 =	stileid.u32  }
0xba: {  	s1 =	rddreg [dreg:$0x1];
	p0 =	sne.s32 s2, $0x0  }
0xbb: {  	s3 =	rddreg [dreg:$0x2];
	[bflag:$0x3] =	sbarrier.arrive $0xFFFF;
	s2 =	simm.s32 @!p0 $0x1C03  }
0xbc: {  	[timem:s3], [sflag:s2] =	dma.local @!p0 [hbm:s0], s1  }
0xbd: {  	s0 =	simm.s32 @!p0 $0x3  }
0xbe: {  	_ =	swait.ge @!p0 [sflag:s0], s1  }
0xbf: {  	s1 =	ssub.s32 @!p0 $0x0, s1;
	[sflag:s0] =	ssyncset.done @!p0 $0x0  }
0xc0: {  	[sflag:s0] =	ssyncadd.s32 @!p0 s1  }
0xc1: {  	[bflag:$0x3] =	sbarrier.arrive $0xFFFF  }
0xc2: {  	_ =	shalt  }

// kernel: kernel.19.cloned.1.call-start
scs
__scs_entry_jumppad:
0x0: {  	(pc) =	sbr.rel $0x88, $3  }
0x1: {  	(tag) =	ssettag $0x0;
	lr =	simm.s32 $0x1  }
0x2: {  	[smem:$0x3F97] =	sst lr;
	_ =	strace $0xD0000000  }
0x3: {  	_ = 	snop  }
0x4: {  	_ = 	snop  }
0x5: {  	_ = 	snop  }
0x6: {  	_ = 	snop  }
0x7: {  	_ = 	snop  }
__scs_overlays_trampoline_lowered:
0x8: {  	[smem:$0x3FA6] =	sst s0  }
0x9: {  	[smem:$0x3FA7] =	sst s1  }
0xa: {  	[smem:$0x3FA8] =	sst s2  }
0xb: {  	[smem:$0x3FA9] =	sst s3  }
0xc: {  	[smem:$0x3FAA] =	sst s4  }
0xd: {  	[smem:$0x3FAB] =	sst s5  }
0xe: {  	[smem:$0x3FAC] =	sst s6  }
0xf: {  	[smem:$0x3FAD] =	sst s7  }
0x10: {  	[smem:$0x3FAE] =	sst s8  }
0x11: {  	[smem:$0x3FAF] =	sst s9;
	s0 =	simm.s32 @!p0 $0x0  }
0x12: {  	s1 =	sld [smem:$0x3F95];
	s0 =	simm.s32 @p0 $0x1  }
0x13: {  	[smem:$0x3FB0] =	sst s0;
	s0 =	simm.s32 @!p1 $0x0  }
0x14: {  	s2 =	sld [smem:$0x3F94];
	s0 =	simm.s32 @p1 $0x1  }
0x15: {  	[smem:$0x3FB1] =	sst s0;
	s0 =	simm.s32 @!p2 $0x0  }
0x16: {  	s3 =	sld [smem:$0x3FDB];
	s0 =	simm.s32 @p2 $0x1  }
0x17: {  	s4 =	simm.s32 $0x1BF5;
	[smem:$0x3FB3] =	sst s0  }
0x18: {  	s0 =	sld [smem:$0x3F96];
	_ =	swait.ge [sflag:s4], $0x0  }
0x19: {  	s7 =	sld [smem:$0x3F97]  }
0x1a: {  	s8 =	sadd.s32 $0xFFFFE003, lr  }
0x1b: {  	s9 =	sadd.s32 $0xFFFFFEF7, lr;
	s5 =	simm.s32 $0xFFFFFFFF;
	p2 =	slt.u32 s8, $0xFFFFF086  }
0x1c: {  	p1 =	slt.u32 s9, $0xF7A;
	s5 =	simm.s32 @!p2 $0x0  }
0x1d: {  	s5 =	simm.s32 @p1 $0x1;
	p0 =	seq.s32 s7, s2  }
0x1e: {  	s7 =	smul.u32 @!p0 $0xF7A, s2;
	p2 =	seq.s32 @!p0 s5, $0x0  }
0x1f: {  	s9 =	smul.u32 $0xF7A, s1;
	s8 =	simm.s32 @!p0 $0x1BF5;
	p2 =	por !p2, p0  }
0x20: {  	[sflag:s8] =	ssyncset.s32 @!p0 $0xFFFFF086;
	s6 =	sadd.s32 @!p0 s3, s7;
	s7 =	simm.s32 @!p0 $0x108  }
0x21: {  	s3 =	sadd.s32 s3, s9;
	s6 =	sadd.s32 @!p0 $0x88, s6;
	s7 =	simm.s32 @p2 $0x1082  }
0x22: {  	[simem:s7], [sflag:s8] =	dma.local @!p0 [hbm:s6], $0xF7A  }
0x23: {  	s9 =	sor.u32 $0xD0000000, s2;
	s6 =	simm.s32 $0x108;
	_ =	swait.ge @!p0 [sflag:s8], $0x0  }
0x24: {  	s3 =	sadd.s32 $0x88, s3;
	s6 =	simm.s32 @!p1 $0x1082;
	[sflag:s4] =	ssyncset.s32 $0xFFFFF086  }
0x25: {  	[simem:s6], [sflag:s4] =	dma.local [hbm:s3], $0xF7A  }
0x26: {  	[smem:$0x3F97] =	sst s1;
	(tag) =	ssettag s2;
	_ =	strace s9  }
0x27: {  	s1 =	sld [smem:$0x3FA7]  }
0x28: {  	s2 =	sld [smem:$0x3FA8]  }
0x29: {  	s4 =	sld [smem:$0x3FAA]  }
0x2a: {  	p0 =	seq.s32 s5, $0x0;
	s5 =	sld [smem:$0x3FAB]  }
0x2b: {  	s6 =	sld [smem:$0x3FAC]  }
0x2c: {  	s7 =	sld [smem:$0x3FAD]  }
0x2d: {  	s3 =	simm.s32 $0x108;
	s8 =	sld [smem:$0x3FAE]  }
0x2e: {  	s3 =	simm.s32 @!p0 $0x1082;
	s9 =	sld [smem:$0x3FAF]  }
0x2f: {  	lr =	sadd.s32 s0, s3;
	s0 =	sld [smem:$0x3FA6]  }
0x30: {  	s3 =	sld [smem:$0x3FA9]  }
0x31: {  	[smem:$0x3FB2] =	sst s10  }
0x32: {  	s10 =	sld [smem:$0x3FB0];
	_ =	sdelay $0x3  }
0x33: {  	p0 =	seq.s32 s10, $0x1;
	s10 =	sld [smem:$0x3FB2];
	_ =	sdelay $0x3  }
0x34: {  	[smem:$0x3FB2] =	sst s10  }
0x35: {  	s10 =	sld [smem:$0x3FB1];
	_ =	sdelay $0x3  }
0x36: {  	p1 =	seq.s32 s10, $0x1;
	s10 =	sld [smem:$0x3FB2];
	_ =	sdelay $0x3  }
0x37: {  	[smem:$0x3FB2] =	sst s10  }
0x38: {  	s10 =	sld [smem:$0x3FB3]  }
0x39: {  	_ = 	snop;
	(pc) =	sbr.ind lr, $3  }
0x3a: {  	_ = 	snop  }
0x3b: {  	_ = 	snop  }
0x3c: {  	p2 =	seq.s32 s10, $0x1;
	s10 =	sld [smem:$0x3FB2]  }
0x3d: {  	_ =	shalt  }
0x3e: {  	_ =	shalt  }
0x3f: {  	_ =	shalt  }
0x40: {  	_ =	shalt  }
0x41: {  	_ =	shalt  }
0x42: {  	_ =	shalt  }
0x43: {  	_ =	shalt  }
0x44: {  	_ =	shalt  }
0x45: {  	_ =	shalt  }
0x46: {  	_ =	shalt  }
0x47: {  	_ =	shalt  }
0x48: {  	_ =	shalt  }
0x49: {  	_ =	shalt  }
0x4a: {  	_ =	shalt  }
0x4b: {  	_ =	shalt  }
0x4c: {  	_ =	shalt  }
0x4d: {  	_ =	shalt  }
0x4e: {  	_ =	shalt  }
0x4f: {  	_ =	shalt  }
0x50: {  	_ =	shalt  }
0x51: {  	_ =	shalt  }
0x52: {  	_ =	shalt  }
0x53: {  	_ =	shalt  }
0x54: {  	_ =	shalt  }
0x55: {  	_ =	shalt  }
0x56: {  	_ =	shalt  }
0x57: {  	_ =	shalt  }
0x58: {  	_ =	shalt  }
0x59: {  	_ =	shalt  }
0x5a: {  	_ =	shalt  }
0x5b: {  	_ =	shalt  }
0x5c: {  	_ =	shalt  }
0x5d: {  	_ =	shalt  }
0x5e: {  	_ =	shalt  }
0x5f: {  	_ =	shalt  }
0x60: {  	_ =	shalt  }
0x61: {  	_ =	shalt  }
0x62: {  	_ =	shalt  }
0x63: {  	_ =	shalt  }
0x64: {  	_ =	shalt  }
0x65: {  	_ =	shalt  }
0x66: {  	_ =	shalt  }
0x67: {  	_ =	shalt  }
0x68: {  	_ =	shalt  }
0x69: {  	_ =	shalt  }
0x6a: {  	_ =	shalt  }
0x6b: {  	_ =	shalt  }
0x6c: {  	_ =	shalt  }
0x6d: {  	_ =	shalt  }
0x6e: {  	_ =	shalt  }
0x6f: {  	_ =	shalt  }
0x70: {  	_ =	shalt  }
0x71: {  	_ =	shalt  }
0x72: {  	_ =	shalt  }
0x73: {  	_ =	shalt  }
0x74: {  	_ =	shalt  }
0x75: {  	_ =	shalt  }
0x76: {  	_ =	shalt  }
0x77: {  	_ =	shalt  }
0x78: {  	_ =	shalt  }
0x79: {  	_ =	shalt  }
0x7a: {  	_ =	shalt  }
0x7b: {  	_ =	shalt  }
0x7c: {  	_ =	shalt  }
0x7d: {  	_ =	shalt  }
0x7e: {  	_ =	shalt  }
0x7f: {  	_ =	shalt  }
0x80: {  	_ =	shalt  }
0x81: {  	_ =	shalt  }
0x82: {  	_ =	shalt  }
0x83: {  	_ =	shalt  }
0x84: {  	_ =	shalt  }
0x85: {  	_ =	shalt  }
0x86: {  	_ =	shalt  }
0x87: {  	_ =	shalt  }
.Lfunc_end0:
.L_simem_size_0:
called_computation.3_lowered:
.L_overlay_start_0:
0x88: {  	s2 =	sld [smem:$0x3FD9]  }
0x89: {  	s3 =	sld [smem:$0x3FFE];
	_ =	sdelay $0x1  }
0x8a: {  	s1 =	srdreg.scid  }
0x8b: {  	s0 =	sand.u32 $0x1, s1  }
0x8c: {  	s17 =	sshll.u32 s0, $0xA;
	s2 =	sadd.s32 s3, s2  }
0x8d: {  	s2 =	sadd.s32 s2, s17  }
0x8e: {  	[smem:$0x3FBE] =	sst s2  }
0x8f: {  	_ = 	snop  }
0x90: {  	s2 =	sld [smem:$0x3FD0];
	(tm) =	ssettm $0x1  }
0x91: {  	s18 =	sld [smem:$0x3FFB];
	_ =	sdelay $0x3  }
0x92: {  	_ =	strace s18  }
0x93: {  	s3 =	sld [smem:$0x3FFC];
	_ =	sdelay $0x3  }
0x94: {  	_ =	strace s3  }
0x95: {  	s3 =	sld [smem:$0x3FFD];
	_ =	sdelay $0x3  }
0x96: {  	_ =	strace s3  }
0x97: {  	_ =	strace $0x8FFFFFFF  }
0x98: {  	s19 =	sld [smem:$0x3FDB];
	_ =	sdelay $0x1  }
0x99: {  	s4 =	simm.s32 $_scs_section_size  }
0x9a: {  	s5 =	simm.s32 $_size__tile_overlayer_lowered;
	s6 =	simm.s32 $_tile_overlayer_lowered  }
0x9b: {  	s22 =	simm.s32 $0x1BFF;
	s21 =	sshll.u32 s6, $0x1;
	s3 =	sadd.s32 s4, s19  }
0x9c: {  	s7 =	simm.s32 $0x0;
	s20 =	sshll.u32 s5, $0x1;
	s5 =	sadd.s32 s21, s3  }
0x9d: {  	[timem:s7], [sflag:s22] =	dma.local [hbm:s5], s20  }
0x9e: {  	_ =	swait.ge [sflag:s22], s20  }
0x9f: {  	s4 =	ssub.s32 $0x0, s20;
	[sflag:s22] =	ssyncset.done $0x0  }
0xa0: {  	[sflag:s22] =	ssyncadd.s32 s4;
	_ =	sdelay $0x1  }
0xa1: {  	s23 =	simm.s32 $0x1B8B  }
0xa2: {  	_ =	swait.ge [sflag:s23], $0x1  }
0xa3: {  	[sflag:s23] =	ssyncset.done $0x0  }
0xa4: {  	s25 =	simm.s32 $0x1B8E;
	s24 =	sld [smem:$0x3FFE];
	[sflag:s23] =	ssyncadd.s32 $0xFFFFFFFF  }
0xa5: {  	s26 =	simm.s32 $execute0_lowered;
	[smem:$0x3FD2] =	sst s25  }
0xa6: {  	s5 =	sshll.u32 s26, $0x1;
	_ =	strace $0x8000004F;
	[dreg:$0x1] =	wrdreg $0xFFFFFFFF  }
0xa7: {  	s28 =	simm.s32 $_size_execute0_lowered;
	s3 =	sadd.s32 s3, s5;
	[dreg:$0x0] =	wrdreg $0x0  }
0xa8: {  	s5 =	sshll.u32 s28, $0x1;
	[dreg:$0x2] =	wrdreg s3  }
0xa9: {  	[dreg:$0x3] =	wrdreg s5  }
0xaa: {  	[dreg:$0x4] =	wrdreg $0xC0  }
0xab: {  	_ =	task [dreg:s7], $0x5FFFF  }
0xac: {  	[dreg:$0x1] =	wrdreg $0xFFFFFFFF  }
0xad: {  	[dreg:$0x0] =	wrdreg $0x60  }
0xae: {  	[dreg:$0x2] =	wrdreg s24  }
0xaf: {  	[dreg:$0x3] =	wrdreg s2  }
0xb0: {  	[dreg:$0x4] =	wrdreg $0xA8000  }
0xb1: {  	[dreg:$0x5] =	wrdreg $0x9  }
0xb2: {  	_ =	task.clear_ibuf [dreg:s7], $0x6FFFF;
	_ =	strace $0x9000004F  }
0xb3: {  	s29 =	simm.s32 $0x9;
	_ =	strace $0x80000051  }
0xb4: {  	_ =	swait.ge [sflag:s29], $0x1  }
0xb5: {  	[sflag:s29] =	ssyncadd.s32 $0xFFFFFFFF  }
0xb6: {  	_ =	strace $0x90000051  }
0xb7: {  	_ =	sfence  }
0xb8: {  	s30 =	sld [smem:$0x0];
	_ =	sdelay $0x2  }
0xb9: {  	s31 =	sshll.u32 s1, $0xD;
	s1 =	sshrl.u32 s1, $0x2  }
0xba: {  	s3 =	sand.u32 $0x4000, s31;
	s1 =	sadd.s32 s1, s30  }
0xbb: {  	s0 =	sor.u32 s3, s0;
	s1 =	sshll.u32 s1, $0x11  }
0xbc: {  	s0 =	sor.u32 s1, s0  }
0xbd: {  	s0 =	sadd.s32 $0x8F2B, s0  }
0xbe: {  	[sflag:s0] =	ssyncadd.remote.s32 $0x1  }
0xbf: {  	_ =	sfence.sel $0xFFFF  }
0xc0: {  	[dreg:$0x0] =	wrdreg $0xFFFFFFFF;
	(pc) =	sbr.abs _section_cstart, $3  }
0xc1: {  	[dreg:$0x1] =	wrdreg $0xFFFFFFFF  }
0xc2: {  	_ =	task.clear_ibuf [dreg:s7], $0x2FFFF;
	_ =	strace $0x9FFFFFFF  }
0xc3: {  	(tm) =	ssettm $0x7FFFFFFF  }
tec
execute0_lowered:
.L_overlay_start_1:
0x0: {  	(tag) =	ssettag $0x1  }
0x1: {  	s5 =	rddreg [dreg:$0x0]  }
0x2: {  	s11 =	rddreg [dreg:$0x1]  }
0x3: {  	s2 =	rddreg [dreg:$0x2]  }
0x4: {  	s0 =	rddreg [dreg:$0x3]  }
0x5: {  	s1 =	stileid.u32;
	s4 =	srdreg.scid  }
0x6: {  	s3 =	simm.s32 $0x0;
	s15 =	simm.s32 $0x1400;
	s16 =	simm.s32 $0x80  }
0x7: {  	s17 =	simm.s32 $0x2800;
	s18 =	simm.s32 $0x6800;
	s19 =	simm.s32 $0x1  }
0x8: {  	s20 =	simm.s32 $0x2;
	s21 =	simm.s32 $0x1380;
	s22 =	simm.s32 $0x2700  }
0x9: {  	s6 =	smul.u32 $0x14000, s1;
	s7 =	sand.u32 $0x1, s4;
	[smem:$0x7FF] =	sst s3  }
0xa: {  	s4 =	sadd.s32 $0xD000, s5;
	s12 =	sadd.s32 $0x3000, s5;
	s10 =	smul.u32 $0x50000, s1  }
0xb: {  	s30 =	sshll.u32 s1, $0x6;
	s8 =	smul.u32 $0x140000, s7;
	_ =	strace $0x80000050  }
0xc: {  	s24 =	ssub.s32 $0x2, s7;
	s7 =	sshll.u32 s7, $0x4;
	s9 =	sshrl.u32 s6, $0x3  }
0xd: {  	s25 =	sshrl.u32 s24, $0x1;
	s26 =	sor.u32 s1, s7;
	s28 =	sshrl.u32 s10, $0x2  }
0xe: {  	s6 =	sadd.s32 s6, s8;
	s23 =	sadd.s32 s9, s5;
	s9 =	ssub.s32 s24, s25  }
0xf: {  	s29 =	smul.u32 $0x2800, s26;
	s14 =	sadd.s32 s28, s2;
	s6 =	sshrl.u32 s6, $0x3  }
0x10: {  	s24 =	simm.s32 $0x0;
	s8 =	smax.u32 s9, $0x1;
	s13 =	sadd.s32 s6, s5  }
0x11: {  	s5 =	sadd.s32 $0x35000, s23;
	s6 =	sor.u32 $0x1C03, s30;
	s10 =	sshrl.u32 s29, $0x3  }
0x12: {  	s23 =	simm.s32 $0x2780;
	s7 =	sadd.s32 $0x5D000, s13;
	s9 =	sadd.s32 s11, s10  }
0x13: {  	s31 =	sadd.s32 $0x280, s10;
	s10 =	sadd.s32 s12, s10;
	s13 =	sshrl.u32 s14, $0x3  }
0x14: {  	s14 =	simm.s32 $0x3;
	s11 =	sadd.s32 s11, s31;
	s12 =	sadd.s32 s12, s31  }
.LBB2_1:
0x15: {  	[spmem:s13], [sflag:s6] =	dma.local [hbm:s5], $0x2800  }
0x16: {  	_ =	swait.ge [sflag:s14], $0x2800  }
0x17: {  	[sflag:s14] =	ssyncset.done $0x0  }
0x18: {  	[sflag:s14] =	ssyncadd.s32 $0xFFFFD800  }
0x19: {  	[bflag:$0x0] =	sbarrier.arrive $0xFFFF  }
0x1a: {  	[tilespmem:s3], [sflag:$0x3] =	stream.linear.gather [hbm4b:s9+s3], $0x1400, $0x38;
	[tilespmem:$0x1E800] =	vst v63  }
0x1b: {  	_ =	swait.ge [sflag:s14], $0x1400  }
0x1c: {  	[sflag:s14] =	ssyncset.done $0x0  }
0x1d: {  	[sflag:s14] =	ssyncadd.s32 $0xFFFFEC00  }
0x1e: {  	[tilespmem:s15], [sflag:$0x3] =	stream.linear.gather [hbm4b:s10+s3], $0x1400, $0x38;
	[tilespmem:$0x1E800] =	vst v63  }
0x1f: {  	_ =	swait.ge [sflag:s14], $0x1400  }
0x20: {  	[sflag:s14] =	ssyncset.done $0x0  }
0x21: {  	[sflag:s14] =	ssyncadd.s32 $0xFFFFEC00  }
0x22: {  	[tilespmem:s17], [sflag:$0x1] =	stream.indirect.gather [hbm4b:s4+s16], $0x80, s3, s16, $0xb8;
	[tilespmem:$0x1E800] =	vst v63  }
0x23: {  	s25 =	simm.s32 $0x80  }
0x24: {  	[tilespmem:s18], [sflag:$0x2] =	stream.indirect.gather [hbm4b:s4+s16], $0x80, s25, s16, $0xb8;
	[tilespmem:$0x1E800] =	vst v63  }
0x25: {  	_ =	swait.ge [sflag:s19], $0x4000  }
0x26: {  	[sflag:s19] =	ssyncset.done $0x0  }
0x27: {  	s29 =	simm.s32 $0x1400;
	[sflag:s19] =	ssyncadd.s32 $0xFFFFC000  }
0x28: {  	[spmem:s2] =	stream.indirect.scatter.add.f32 [tilespmem:s17], [sflag:$0x3], $0x80, s29, s16, $0xb8;
	[tilespmem:$0x1E800] =	vst v63  }
0x29: {  	_ =	swait.ge [sflag:s14], $0x4000  }
0x2a: {  	[sflag:s14] =	ssyncset.done $0x0  }
0x2b: {  	s30 =	simm.s32 $0x100;
	[sflag:s14] =	ssyncadd.s32 $0xFFFFC000  }
0x2c: {  	[tilespmem:s17], [sflag:$0x1] =	stream.indirect.gather [hbm4b:s4+s16], $0x80, s30, s16, $0xb8;
	[tilespmem:$0x1E800] =	vst v63  }
0x2d: {  	_ =	swait.ge [sflag:s20], $0x4000  }
0x2e: {  	[sflag:s20] =	ssyncset.done $0x0  }
0x2f: {  	s31 =	simm.s32 $0x1480;
	[sflag:s20] =	ssyncadd.s32 $0xFFFFC000  }
0x30: {  	[spmem:s2] =	stream.indirect.scatter.add.f32 [tilespmem:s18], [sflag:$0x3], $0x80, s31, s16, $0xb8;
	[tilespmem:$0x1E800] =	vst v63  }
0x31: {  	_ =	swait.ge [sflag:s14], $0x4000  }
0x32: {  	s26 =	simm.s32 $0x800;
	s25 =	simm.s32 $0x100;
	[sflag:s14] =	ssyncset.done $0x0  }
.LBB2_2:
0x33: {  	s28 =	sadd.s32 $0x80, s25  }
0x34: {  	[sflag:s14] =	ssyncadd.s32 $0xFFFFC000;
	s29 =	smov.u32 s26;
	s30 =	sadd.s32 $0x400, s26  }
0x35: {  	[tilespmem:s18], [sflag:$0x2] =	stream.indirect.gather [hbm4b:s4+s16], $0x80, s28, s16, $0xb8;
	[tilespmem:$0x1E800] =	vst v63  }
0x36: {  	p0 =	sne.s32 s26, $0x4800;
	_ =	swait.ge [sflag:s19], $0x4000  }
0x37: {  	[sflag:s19] =	ssyncset.done $0x0  }
0x38: {  	s26 =	sadd.s32 $0x1400, s25;
	[sflag:s19] =	ssyncadd.s32 $0xFFFFC000  }
0x39: {  	[spmem:s2] =	stream.indirect.scatter.add.f32 [tilespmem:s17], [sflag:$0x3], $0x80, s26, s16, $0xb8;
	[tilespmem:$0x1E800] =	vst v63  }
0x3a: {  	_ =	swait.ge [sflag:s14], $0x4000  }
0x3b: {  	[sflag:s14] =	ssyncset.done $0x0  }
0x3c: {  	s26 =	sadd.s32 $0x100, s25;
	[sflag:s14] =	ssyncadd.s32 $0xFFFFC000  }
0x3d: {  	[tilespmem:s17], [sflag:$0x1] =	stream.indirect.gather [hbm4b:s4+s16], $0x80, s26, s16, $0xb8;
	[tilespmem:$0x1E800] =	vst v63  }
0x3e: {  	_ =	swait.ge [sflag:s20], $0x4000  }
.Ltmp0:
0x3f: {  	[sflag:s20] =	ssyncset.done $0x0;
	(pc) =	sbr.rel @p0 .LBB2_2-.Ltmp0, $4  }
0x40: {  	s25 =	sadd.s32 $0x1480, s25;
	[sflag:s20] =	ssyncadd.s32 $0xFFFFC000  }
0x41: {  	[spmem:s2] =	stream.indirect.scatter.add.f32 [tilespmem:s18], [sflag:$0x3], $0x80, s25, s16, $0xb8;
	[tilespmem:$0x1E800] =	vst v63  }
0x42: {  	_ =	swait.ge [sflag:s14], $0x4000  }
0x43: {  	s26 =	smov.u32 s30;
	s25 =	sshra.s32 s29, $0x2;
	[sflag:s14] =	ssyncset.done $0x0  }
0x44: {  	s26 =	sadd.s32 $0x80, s25;
	[sflag:s14] =	ssyncadd.s32 $0xFFFFC000  }
0x45: {  	[tilespmem:s18], [sflag:$0x2] =	stream.indirect.gather [hbm4b:s4+s16], $0x80, s26, s16, $0xb8;
	[tilespmem:$0x1E800] =	vst v63  }
0x46: {  	_ =	swait.ge [sflag:s19], $0x4000  }
0x47: {  	[sflag:s19] =	ssyncset.done $0x0  }
0x48: {  	s29 =	sadd.s32 $0x1400, s25;
	[sflag:s19] =	ssyncadd.s32 $0xFFFFC000  }
0x49: {  	[spmem:s2] =	stream.indirect.scatter.add.f32 [tilespmem:s17], [sflag:$0x3], $0x80, s29, s16, $0xb8;
	[tilespmem:$0x1E800] =	vst v63  }
0x4a: {  	_ =	swait.ge [sflag:s14], $0x4000  }
0x4b: {  	[sflag:s14] =	ssyncset.done $0x0  }
0x4c: {  	s30 =	sadd.s32 $0x100, s25;
	[sflag:s14] =	ssyncadd.s32 $0xFFFFC000  }
0x4d: {  	[tilespmem:s17], [sflag:$0x1] =	stream.indirect.gather [hbm4b:s4+s16], $0x80, s30, s16, $0xb8;
	[tilespmem:$0x1E800] =	vst v63  }
0x4e: {  	_ =	swait.ge [sflag:s20], $0x4000  }
0x4f: {  	[sflag:s20] =	ssyncset.done $0x0  }
0x50: {  	s31 =	sadd.s32 $0x1480, s25;
	[sflag:s20] =	ssyncadd.s32 $0xFFFFC000  }
0x51: {  	[spmem:s2] =	stream.indirect.scatter.add.f32 [tilespmem:s18], [sflag:$0x3], $0x80, s31, s16, $0xb8;
	[tilespmem:$0x1E800] =	vst v63  }
0x52: {  	_ =	swait.ge [sflag:s14], $0x4000  }
0x53: {  	[sflag:s14] =	ssyncset.done $0x0  }
0x54: {  	[sflag:s14] =	ssyncadd.s32 $0xFFFFC000  }
0x55: {  	[tilespmem:s18], [sflag:$0x2] =	stream.indirect.gather [hbm4b:s4+s16], $0x80, s21, s16, $0xb8;
	[tilespmem:$0x1E800] =	vst v63  }
0x56: {  	_ =	swait.ge [sflag:s19], $0x4000  }
0x57: {  	[sflag:s19] =	ssyncset.done $0x0  }
0x58: {  	[sflag:s19] =	ssyncadd.s32 $0xFFFFC000  }
0x59: {  	[spmem:s2] =	stream.indirect.scatter.add.f32 [tilespmem:s17], [sflag:$0x3], $0x80, s22, s16, $0xb8;
	[tilespmem:$0x1E800] =	vst v63  }
0x5a: {  	_ =	swait.ge [sflag:s14], $0x4000  }
0x5b: {  	[sflag:s14] =	ssyncset.done $0x0  }
0x5c: {  	[sflag:s14] =	ssyncadd.s32 $0xFFFFC000  }
0x5d: {  	_ =	swait.ge [sflag:s20], $0x4000  }
0x5e: {  	[sflag:s20] =	ssyncset.done $0x0  }
0x5f: {  	[sflag:s20] =	ssyncadd.s32 $0xFFFFC000  }
0x60: {  	[spmem:s2] =	stream.indirect.scatter.add.f32 [tilespmem:s18], [sflag:$0x3], $0x80, s23, s16, $0xb8;
	[tilespmem:$0x1E800] =	vst v63  }
0x61: {  	_ =	swait.ge [sflag:s14], $0x4000  }
0x62: {  	[sflag:s14] =	ssyncset.done $0x0  }
0x63: {  	s26 =	simm.s32 $0x0;
	[sflag:s14] =	ssyncadd.s32 $0xFFFFC000  }
0x64: {  	[tilespmem:s26], [sflag:$0x3] =	stream.linear.gather [hbm4b:s11+s26], $0x1400, $0x38;
	[tilespmem:$0x1E800] =	vst v63  }
0x65: {  	_ =	swait.ge [sflag:s14], $0x1400  }
0x66: {  	[sflag:s14] =	ssyncset.done $0x0  }
0x67: {  	[sflag:s14] =	ssyncadd.s32 $0xFFFFEC00  }
0x68: {  	[tilespmem:s15], [sflag:$0x3] =	stream.linear.gather [hbm4b:s12+s26], $0x1400, $0x38;
	[tilespmem:$0x1E800] =	vst v63  }
0x69: {  	_ =	swait.ge [sflag:s14], $0x1400  }
0x6a: {  	[sflag:s14] =	ssyncset.done $0x0  }
0x6b: {  	[sflag:s14] =	ssyncadd.s32 $0xFFFFEC00  }
0x6c: {  	[tilespmem:s17], [sflag:$0x1] =	stream.indirect.gather [hbm4b:s4+s16], $0x80, s26, s16, $0xb8;
	[tilespmem:$0x1E800] =	vst v63  }
0x6d: {  	s28 =	simm.s32 $0x80  }
0x6e: {  	[tilespmem:s18], [sflag:$0x2] =	stream.indirect.gather [hbm4b:s4+s16], $0x80, s28, s16, $0xb8;
	[tilespmem:$0x1E800] =	vst v63  }
0x6f: {  	_ =	swait.ge [sflag:s19], $0x4000  }
0x70: {  	[sflag:s19] =	ssyncset.done $0x0  }
0x71: {  	s29 =	simm.s32 $0x1400;
	[sflag:s19] =	ssyncadd.s32 $0xFFFFC000  }
0x72: {  	[spmem:s2] =	stream.indirect.scatter.add.f32 [tilespmem:s17], [sflag:$0x3], $0x80, s29, s16, $0xb8;
	[tilespmem:$0x1E800] =	vst v63  }
0x73: {  	_ =	swait.ge [sflag:s14], $0x4000  }
0x74: {  	[sflag:s14] =	ssyncset.done $0x0  }
0x75: {  	s30 =	simm.s32 $0x100;
	[sflag:s14] =	ssyncadd.s32 $0xFFFFC000  }
0x76: {  	[tilespmem:s17], [sflag:$0x1] =	stream.indirect.gather [hbm4b:s4+s16], $0x80, s30, s16, $0xb8;
	[tilespmem:$0x1E800] =	vst v63  }
0x77: {  	_ =	swait.ge [sflag:s20], $0x4000  }
0x78: {  	[sflag:s20] =	ssyncset.done $0x0  }
0x79: {  	s31 =	simm.s32 $0x1480;
	[sflag:s20] =	ssyncadd.s32 $0xFFFFC000  }
0x7a: {  	[spmem:s2] =	stream.indirect.scatter.add.f32 [tilespmem:s18], [sflag:$0x3], $0x80, s31, s16, $0xb8;
	[tilespmem:$0x1E800] =	vst v63  }
0x7b: {  	_ =	swait.ge [sflag:s14], $0x4000  }
0x7c: {  	s25 =	simm.s32 $0x100;
	s26 =	simm.s32 $0x800;
	[sflag:s14] =	ssyncset.done $0x0  }
.LBB2_4:
0x7d: {  	s28 =	sadd.s32 $0x80, s25  }
0x7e: {  	[sflag:s14] =	ssyncadd.s32 $0xFFFFC000;
	s29 =	smov.u32 s26;
	s30 =	sadd.s32 $0x400, s26  }
0x7f: {  	[tilespmem:s18], [sflag:$0x2] =	stream.indirect.gather [hbm4b:s4+s16], $0x80, s28, s16, $0xb8;
	[tilespmem:$0x1E800] =	vst v63  }
0x80: {  	p0 =	sne.s32 s26, $0x4800;
	_ =	swait.ge [sflag:s19], $0x4000  }
0x81: {  	[sflag:s19] =	ssyncset.done $0x0  }
0x82: {  	s26 =	sadd.s32 $0x1400, s25;
	[sflag:s19] =	ssyncadd.s32 $0xFFFFC000  }
0x83: {  	[spmem:s2] =	stream.indirect.scatter.add.f32 [tilespmem:s17], [sflag:$0x3], $0x80, s26, s16, $0xb8;
	[tilespmem:$0x1E800] =	vst v63  }
0x84: {  	_ =	swait.ge [sflag:s14], $0x4000  }
0x85: {  	[sflag:s14] =	ssyncset.done $0x0  }
0x86: {  	s26 =	sadd.s32 $0x100, s25;
	[sflag:s14] =	ssyncadd.s32 $0xFFFFC000  }
0x87: {  	[tilespmem:s17], [sflag:$0x1] =	stream.indirect.gather [hbm4b:s4+s16], $0x80, s26, s16, $0xb8;
	[tilespmem:$0x1E800] =	vst v63  }
0x88: {  	_ =	swait.ge [sflag:s20], $0x4000  }
.Ltmp1:
0x89: {  	[sflag:s20] =	ssyncset.done $0x0;
	(pc) =	sbr.rel @p0 .LBB2_4-.Ltmp1, $4  }
0x8a: {  	s25 =	sadd.s32 $0x1480, s25;
	[sflag:s20] =	ssyncadd.s32 $0xFFFFC000  }
0x8b: {  	[spmem:s2] =	stream.indirect.scatter.add.f32 [tilespmem:s18], [sflag:$0x3], $0x80, s25, s16, $0xb8;
	[tilespmem:$0x1E800] =	vst v63  }
0x8c: {  	_ =	swait.ge [sflag:s14], $0x4000  }
0x8d: {  	s26 =	smov.u32 s30;
	s25 =	sshra.s32 s29, $0x2;
	[sflag:s14] =	ssyncset.done $0x0  }
0x8e: {  	s26 =	sadd.s32 $0x80, s25;
	[sflag:s14] =	ssyncadd.s32 $0xFFFFC000  }
0x8f: {  	[tilespmem:s18], [sflag:$0x2] =	stream.indirect.gather [hbm4b:s4+s16], $0x80, s26, s16, $0xb8;
	[tilespmem:$0x1E800] =	vst v63  }
0x90: {  	_ =	swait.ge [sflag:s19], $0x4000  }
0x91: {  	[sflag:s19] =	ssyncset.done $0x0  }
0x92: {  	s29 =	sadd.s32 $0x1400, s25;
	[sflag:s19] =	ssyncadd.s32 $0xFFFFC000  }
0x93: {  	[spmem:s2] =	stream.indirect.scatter.add.f32 [tilespmem:s17], [sflag:$0x3], $0x80, s29, s16, $0xb8;
	[tilespmem:$0x1E800] =	vst v63  }
0x94: {  	_ =	swait.ge [sflag:s14], $0x4000  }
0x95: {  	[sflag:s14] =	ssyncset.done $0x0  }
0x96: {  	s30 =	sadd.s32 $0x100, s25;
	[sflag:s14] =	ssyncadd.s32 $0xFFFFC000  }
0x97: {  	[tilespmem:s17], [sflag:$0x1] =	stream.indirect.gather [hbm4b:s4+s16], $0x80, s30, s16, $0xb8;
	[tilespmem:$0x1E800] =	vst v63  }
0x98: {  	_ =	swait.ge [sflag:s20], $0x4000  }
0x99: {  	[sflag:s20] =	ssyncset.done $0x0  }
0x9a: {  	s31 =	sadd.s32 $0x1480, s25;
	[sflag:s20] =	ssyncadd.s32 $0xFFFFC000  }
0x9b: {  	[spmem:s2] =	stream.indirect.scatter.add.f32 [tilespmem:s18], [sflag:$0x3], $0x80, s31, s16, $0xb8;
	[tilespmem:$0x1E800] =	vst v63  }
0x9c: {  	_ =	swait.ge [sflag:s14], $0x4000  }
0x9d: {  	[sflag:s14] =	ssyncset.done $0x0  }
0x9e: {  	[sflag:s14] =	ssyncadd.s32 $0xFFFFC000  }
0x9f: {  	[tilespmem:s18], [sflag:$0x2] =	stream.indirect.gather [hbm4b:s4+s16], $0x80, s21, s16, $0xb8;
	[tilespmem:$0x1E800] =	vst v63  }
0xa0: {  	_ =	swait.ge [sflag:s19], $0x4000  }
0xa1: {  	[sflag:s19] =	ssyncset.done $0x0  }
0xa2: {  	[sflag:s19] =	ssyncadd.s32 $0xFFFFC000  }
0xa3: {  	[spmem:s2] =	stream.indirect.scatter.add.f32 [tilespmem:s17], [sflag:$0x3], $0x80, s22, s16, $0xb8;
	[tilespmem:$0x1E800] =	vst v63  }
0xa4: {  	_ =	swait.ge [sflag:s14], $0x4000  }
0xa5: {  	[sflag:s14] =	ssyncset.done $0x0  }
0xa6: {  	[sflag:s14] =	ssyncadd.s32 $0xFFFFC000  }
0xa7: {  	_ =	swait.ge [sflag:s20], $0x4000  }
0xa8: {  	[sflag:s20] =	ssyncset.done $0x0  }
0xa9: {  	[sflag:s20] =	ssyncadd.s32 $0xFFFFC000  }
0xaa: {  	[spmem:s2] =	stream.indirect.scatter.add.f32 [tilespmem:s18], [sflag:$0x3], $0x80, s23, s16, $0xb8;
	[tilespmem:$0x1E800] =	vst v63  }
0xab: {  	_ =	swait.ge [sflag:s14], $0x4000  }
0xac: {  	s24 =	sadd.s32 $0x1, s24;
	[sflag:s14] =	ssyncset.done $0x0  }
0xad: {  	p0 =	sne.s32 s24, s8;
	[sflag:s14] =	ssyncadd.s32 $0xFFFFC000  }
.Ltmp2:
0xae: {  	[bflag:$0x0] =	sbarrier.arrive $0xFFFF;
	(pc) =	sbr.rel @p0 .LBB2_1-.Ltmp2, $4  }
0xaf: {  	[hbm:s7], [sflag:s6] =	dma.local [spmem:s13], $0x2800  }
0xb0: {  	_ =	swait.ge [sflag:s14], $0x2800  }
0xb1: {  	[sflag:s14] =	ssyncset.done $0x0  }
0xb2: {  	[sflag:s14] =	ssyncadd.s32 $0xFFFFD800  }
0xb3: {  	_ =	sfence.sel $0x180000  }
0xb4: {  	[bflag:$0x0] =	sbarrier.arrive $0xFFFF  }
0xb5: {  	p0 =	sne.s32 s1, $0x0;
	_ =	strace $0x90000050  }
0xb6: {  	s0 =	sadd.s32 @!p0 $0x100000, s0;
	[bflag:$0x2] =	sbarrier.arrive $0xFFFF  }
0xb7: {  	[sflag:s0] =	ssyncadd.tile.s32 @!p0 $0x1;
	_ =	shalt  }
.Lfunc_end2:
_tile_overlayer_lowered:
.L_overlay_start_2:
0xb8: {  	(tag) =	ssettag $0x2  }
0xb9: {  	s0 =	rddreg [dreg:$0x0];
	s2 =	stileid.u32  }
0xba: {  	s1 =	rddreg [dreg:$0x1];
	p0 =	sne.s32 s2, $0x0  }
0xbb: {  	s3 =	rddreg [dreg:$0x2];
	[bflag:$0x3] =	sbarrier.arrive $0xFFFF;
	s2 =	simm.s32 @!p0 $0x1C03  }
0xbc: {  	[timem:s3], [sflag:s2] =	dma.local @!p0 [hbm:s0], s1  }
0xbd: {  	s0 =	simm.s32 @!p0 $0x3  }
0xbe: {  	_ =	swait.ge @!p0 [sflag:s0], s1  }
0xbf: {  	s1 =	ssub.s32 @!p0 $0x0, s1;
	[sflag:s0] =	ssyncset.done @!p0 $0x0  }
0xc0: {  	[sflag:s0] =	ssyncadd.s32 @!p0 s1  }
0xc1: {  	[bflag:$0x3] =	sbarrier.arrive $0xFFFF  }
0xc2: {  	_ =	shalt  }

</sc_bundles>
